<compile_context>
chip_gen: v7x
topology: tpu7x:2x2x1
jax: 0.10.2.dev20260603
libtpu: 0.0.44.dev20260713+nightly
codegen_flags: <defaults>
</compile_context>

<pallas_src>
import functools

import jax
import jax.numpy as jnp
from jax import lax
from jax.experimental import pallas as pl
from jax.experimental.pallas import tpu as pltpu
from jax.experimental.pallas import tpu_sc as plsc


def _sc_gather(table, idx2d, feat):
    B, L = idx2d.shape
    NC, NS = 2, 16
    NW = NC * NS
    assert B % NW == 0
    rows_per_w = B // NW
    sub_rows = 8
    assert rows_per_w % sub_rows == 0
    n_chunks = rows_per_w // sub_rows
    chunk = sub_rows * L

    mesh = plsc.VectorSubcoreMesh(core_axis_name="c", subcore_axis_name="s")

    @functools.partial(
        pl.kernel,
        mesh=mesh,
        out_type=jax.ShapeDtypeStruct((B * L, feat), jnp.float32),
        scratch_types=[
            pltpu.VMEM((sub_rows, L), jnp.int32),
            pltpu.VMEM((chunk, feat), jnp.float32),
            pltpu.SemaphoreType.DMA,
        ],
    )
    def gather_kernel(table_hbm, idx_hbm, out_hbm, idx_v, rows_v, sem):
        wid = lax.axis_index("s") * NC + lax.axis_index("c")
        row_base = wid * rows_per_w
        for k in range(n_chunks):
            row0 = row_base + k * sub_rows
            pltpu.sync_copy(idx_hbm.at[pl.ds(row0, sub_rows), :], idx_v)
            copies = [
                pltpu.async_copy(
                    table_hbm.at[idx_v.at[r]],
                    rows_v.at[pl.ds(r * L, L)],
                    sem,
                )
                for r in range(sub_rows)
            ]
            for c in copies:
                c.wait()
            pltpu.sync_copy(rows_v, out_hbm.at[pl.ds(row0 * L, chunk)])

    return gather_kernel(table, idx2d)


def _tc_softmax_to_3d(x, B, L, F):
    block_b = 8

    def body(x_ref, o_ref):
        e = jnp.exp(x_ref[...])
        s = jnp.sum(e, axis=-1, keepdims=True)
        v = e * (1.0 / s)
        for r in range(block_b):
            o_ref[r] = v[r * L:(r + 1) * L, :]

    return pl.pallas_call(
        body,
        out_shape=jax.ShapeDtypeStruct((B, L, F), jnp.float32),
        grid=(B // block_b,),
        in_specs=[pl.BlockSpec((block_b * L, F), lambda i: (i, 0))],
        out_specs=pl.BlockSpec((block_b, L, F), lambda i: (i, 0, 0)),
        compiler_params=pltpu.CompilerParams(
            dimension_semantics=("parallel",),
        ),
    )(x)


def kernel(venueid2coor, inputs_wekn, poi_freq_matrix):
    del venueid2coor
    B, L = inputs_wekn.shape
    _, F = poi_freq_matrix.shape
    gathered = _sc_gather(poi_freq_matrix, inputs_wekn, F)
    return _tc_softmax_to_3d(gathered, B, L, F)

# --- scband reference (transcript-rebuilt; emitter-appended) ---
"""Pipeline reference for scband-attn-loc-freq-71090298683717 (READ-ONLY COPY).

The authoritative reference and input builder live on the scoring server;
editing this copy changes nothing except your own understanding.
"""

import jax, jax.numpy as jnp
import numpy as np


def setup_inputs(seed: int = 0) -> dict:
    key = jax.random.key(seed)
    k1, k2, k3 = jax.random.split(key, 3)
    venueid2coor = jax.random.normal(k1, (100000, 2), dtype=jnp.float32)
    inputs_wekn = jax.random.randint(k2, (1024, 50), 0, 100000, dtype=jnp.int32)
    poi_freq_matrix = jax.random.normal(k3, (100000, 128), dtype=jnp.float32)
    return {
        "venueid2coor": venueid2coor,
        "inputs_wekn": inputs_wekn,
        "poi_freq_matrix": poi_freq_matrix,
    }


def reference(venueid2coor, inputs_wekn, poi_freq_matrix):
    # softmax over dim=1 of the POI frequency matrix
    p = jax.nn.softmax(poi_freq_matrix, axis=1)
    # per-batch gather of rows indexed by inputs_wekn; the python loop in the
    # original torch code is equivalent to a single batched row-gather.
    # original .squeeze(1) is not in-place and its result is discarded, so the
    # output keeps shape [B, L, F].
    final_attn_energies = jnp.take(p, inputs_wekn, axis=0)
    return final_attn_energies

if __name__ == "__main__":
    import jax
    _d = setup_inputs()
    print(jax.jit(kernel)(*tuple(_d.values())))

</pallas_src>

<mosaic_0001>
#map = affine_map<(d0, d1) -> (0, 0)>
module attributes {stable_mosaic.version = 14 : i64} {
  func.func @gather_kernel(%arg0: i32, %arg1: i32, %arg2: memref<100000x128xf32, #tpu.memory_space<hbm>>, %arg3: memref<1024x50xi32, #tpu.memory_space<hbm>>, %arg4: memref<51200x128xf32, #tpu.memory_space<hbm>>, %arg5: memref<8x50xi32, #tpu.memory_space<vmem>>, %arg6: memref<400x128xf32, #tpu.memory_space<vmem>>, %arg7: memref<!tpu.dma_semaphore, #tpu.memory_space<semaphore_mem>>) attributes {dimension_semantics = [#tpu.dimension_semantics<core_parallel>, #tpu.dimension_semantics<subcore_parallel>], iteration_bounds = array<i64: 2, 16>, scalar_prefetch = 0 : i64, scratch_operands = 3 : i64, tpu.core_type = #tpu.core_type<sc_vector_subcore>, window_params = [{transform_indices = #map}, {transform_indices = #map}, {transform_indices = #map}]} {
    %mul3A = arith.constant 2 : i32
    %mul3A_0 = arith.muli %arg1, %mul3A : i32
    %add3A = arith.addi %mul3A_0, %arg0 : i32
    %mul3A_1 = arith.constant 32 : i32
    %mul3A_2 = arith.muli %add3A, %mul3A_1 : i32
    %add3A_3 = arith.constant 0 : i32
    %add3A_4 = arith.addi %mul3A_2, %add3A_3 : i32
    "tpu.region"() ({
      %run_scoped3A = tpu.sem_alloc : memref<!tpu.dma_semaphore, #tpu.memory_space<semaphore_mem>>
      %dma_start3A_657 = arith.constant 0 : i32
      %dma_start3A_658 = tpu.memref_slice %arg3[%add3A_4, %dma_start3A_657] : memref<1024x50xi32, #tpu.memory_space<hbm>> -> memref<8x50xi32, #tpu.memory_space<hbm>>
      %dma_start3A_659 = arith.constant 0 : i32
      %dma_start3A_660 = tpu.memref_slice %arg3[%add3A_4, %dma_start3A_659] : memref<1024x50xi32, #tpu.memory_space<hbm>> -> memref<8x50xi32, #tpu.memory_space<hbm>>
      tpu.enqueue_dma source(%dma_start3A_660 : memref<8x50xi32, #tpu.memory_space<hbm>>) target(%arg5 : memref<8x50xi32, #tpu.memory_space<vmem>>) target_semaphore(%run_scoped3A : memref<!tpu.dma_semaphore, #tpu.memory_space<semaphore_mem>>)
      %dma_wait3A_661 = arith.constant 0 : i32
      %dma_wait3A_662 = tpu.memref_slice %arg3[%add3A_4, %dma_wait3A_661] : memref<1024x50xi32, #tpu.memory_space<hbm>> -> memref<8x50xi32, #tpu.memory_space<hbm>>
      %dma_wait3A_663 = arith.constant 0 : i32
      %dma_wait3A_664 = tpu.memref_slice %arg3[%add3A_4, %dma_wait3A_663] : memref<1024x50xi32, #tpu.memory_space<hbm>> -> memref<8x50xi32, #tpu.memory_space<hbm>>
      tpu.wait_dma2 semaphore(%run_scoped3A : memref<!tpu.dma_semaphore, #tpu.memory_space<semaphore_mem>>) src(%dma_wait3A_664 : memref<8x50xi32, #tpu.memory_space<hbm>>) dst(%arg5 : memref<8x50xi32, #tpu.memory_space<vmem>>)
      tpu.yield
    }) : () -> ()
    %dma_start3A = arith.constant 0 : i32
    %dma_start3A_5 = arith.constant 0 : i32
    %dma_start3A_6 = arith.constant 0 : i32
    %dma_start3A_7 = tpu.memref_slice %arg6[%dma_start3A_5, %dma_start3A_6] : memref<400x128xf32, #tpu.memory_space<vmem>> -> memref<50x128xf32, #tpu.memory_space<vmem>>
    %dma_start3A_8 = arith.constant 0 : i32
    %dma_start3A_9 = tpu.memref_slice %arg5[%dma_start3A, %dma_start3A_8] : memref<8x50xi32, #tpu.memory_space<vmem>> -> memref<1x50xi32, #tpu.memory_space<vmem>>
    %dma_start3A_10 = tpu.memref_squeeze %dma_start3A_9 : memref<1x50xi32, #tpu.memory_space<vmem>> -> memref<50xi32, #tpu.memory_space<vmem>>
    %dma_start3A_11 = arith.constant 0 : i32
    %dma_start3A_12 = arith.constant 0 : i32
    %dma_start3A_13 = tpu.memref_slice %arg2[%dma_start3A_11, %dma_start3A_12] : memref<100000x128xf32, #tpu.memory_space<hbm>> -> memref<100000x128xf32, #tpu.memory_space<hbm>>
    tpu.enqueue_indirect_dma source(%dma_start3A_13 : memref<100000x128xf32, #tpu.memory_space<hbm>>) target(%dma_start3A_7 : memref<50x128xf32, #tpu.memory_space<vmem>>) offsets(%dma_start3A_10 : memref<50xi32, #tpu.memory_space<vmem>>) semaphore(%arg7 : memref<!tpu.dma_semaphore, #tpu.memory_space<semaphore_mem>>)
    %dma_start3A_14 = arith.constant 1 : i32
    %dma_start3A_15 = arith.constant 50 : i32
    %dma_start3A_16 = arith.constant 0 : i32
    %dma_start3A_17 = tpu.memref_slice %arg6[%dma_start3A_15, %dma_start3A_16] : memref<400x128xf32, #tpu.memory_space<vmem>> -> memref<50x128xf32, #tpu.memory_space<vmem>>
    %dma_start3A_18 = arith.constant 0 : i32
    %dma_start3A_19 = tpu.memref_slice %arg5[%dma_start3A_14, %dma_start3A_18] : memref<8x50xi32, #tpu.memory_space<vmem>> -> memref<1x50xi32, #tpu.memory_space<vmem>>
    %dma_start3A_20 = tpu.memref_squeeze %dma_start3A_19 : memref<1x50xi32, #tpu.memory_space<vmem>> -> memref<50xi32, #tpu.memory_space<vmem>>
    %dma_start3A_21 = arith.constant 0 : i32
    %dma_start3A_22 = arith.constant 0 : i32
    %dma_start3A_23 = tpu.memref_slice %arg2[%dma_start3A_21, %dma_start3A_22] : memref<100000x128xf32, #tpu.memory_space<hbm>> -> memref<100000x128xf32, #tpu.memory_space<hbm>>
    tpu.enqueue_indirect_dma source(%dma_start3A_23 : memref<100000x128xf32, #tpu.memory_space<hbm>>) target(%dma_start3A_17 : memref<50x128xf32, #tpu.memory_space<vmem>>) offsets(%dma_start3A_20 : memref<50xi32, #tpu.memory_space<vmem>>) semaphore(%arg7 : memref<!tpu.dma_semaphore, #tpu.memory_space<semaphore_mem>>)
    %dma_start3A_24 = arith.constant 2 : i32
    %dma_start3A_25 = arith.constant 100 : i32
    %dma_start3A_26 = arith.constant 0 : i32
    %dma_start3A_27 = tpu.memref_slice %arg6[%dma_start3A_25, %dma_start3A_26] : memref<400x128xf32, #tpu.memory_space<vmem>> -> memref<50x128xf32, #tpu.memory_space<vmem>>
    %dma_start3A_28 = arith.constant 0 : i32
    %dma_start3A_29 = tpu.memref_slice %arg5[%dma_start3A_24, %dma_start3A_28] : memref<8x50xi32, #tpu.memory_space<vmem>> -> memref<1x50xi32, #tpu.memory_space<vmem>>
    %dma_start3A_30 = tpu.memref_squeeze %dma_start3A_29 : memref<1x50xi32, #tpu.memory_space<vmem>> -> memref<50xi32, #tpu.memory_space<vmem>>
    %dma_start3A_31 = arith.constant 0 : i32
    %dma_start3A_32 = arith.constant 0 : i32
    %dma_start3A_33 = tpu.memref_slice %arg2[%dma_start3A_31, %dma_start3A_32] : memref<100000x128xf32, #tpu.memory_space<hbm>> -> memref<100000x128xf32, #tpu.memory_space<hbm>>
    tpu.enqueue_indirect_dma source(%dma_start3A_33 : memref<100000x128xf32, #tpu.memory_space<hbm>>) target(%dma_start3A_27 : memref<50x128xf32, #tpu.memory_space<vmem>>) offsets(%dma_start3A_30 : memref<50xi32, #tpu.memory_space<vmem>>) semaphore(%arg7 : memref<!tpu.dma_semaphore, #tpu.memory_space<semaphore_mem>>)
    %dma_start3A_34 = arith.constant 3 : i32
    %dma_start3A_35 = arith.constant 150 : i32
    %dma_start3A_36 = arith.constant 0 : i32
    %dma_start3A_37 = tpu.memref_slice %arg6[%dma_start3A_35, %dma_start3A_36] : memref<400x128xf32, #tpu.memory_space<vmem>> -> memref<50x128xf32, #tpu.memory_space<vmem>>
    %dma_start3A_38 = arith.constant 0 : i32
    %dma_start3A_39 = tpu.memref_slice %arg5[%dma_start3A_34, %dma_start3A_38] : memref<8x50xi32, #tpu.memory_space<vmem>> -> memref<1x50xi32, #tpu.memory_space<vmem>>
    %dma_start3A_40 = tpu.memref_squeeze %dma_start3A_39 : memref<1x50xi32, #tpu.memory_space<vmem>> -> memref<50xi32, #tpu.memory_space<vmem>>
    %dma_start3A_41 = arith.constant 0 : i32
    %dma_start3A_42 = arith.constant 0 : i32
    %dma_start3A_43 = tpu.memref_slice %arg2[%dma_start3A_41, %dma_start3A_42] : memref<100000x128xf32, #tpu.memory_space<hbm>> -> memref<100000x128xf32, #tpu.memory_space<hbm>>
    tpu.enqueue_indirect_dma source(%dma_start3A_43 : memref<100000x128xf32, #tpu.memory_space<hbm>>) target(%dma_start3A_37 : memref<50x128xf32, #tpu.memory_space<vmem>>) offsets(%dma_start3A_40 : memref<50xi32, #tpu.memory_space<vmem>>) semaphore(%arg7 : memref<!tpu.dma_semaphore, #tpu.memory_space<semaphore_mem>>)
    %dma_start3A_44 = arith.constant 4 : i32
    %dma_start3A_45 = arith.constant 200 : i32
    %dma_start3A_46 = arith.constant 0 : i32
    %dma_start3A_47 = tpu.memref_slice %arg6[%dma_start3A_45, %dma_start3A_46] : memref<400x128xf32, #tpu.memory_space<vmem>> -> memref<50x128xf32, #tpu.memory_space<vmem>>
    %dma_start3A_48 = arith.constant 0 : i32
    %dma_start3A_49 = tpu.memref_slice %arg5[%dma_start3A_44, %dma_start3A_48] : memref<8x50xi32, #tpu.memory_space<vmem>> -> memref<1x50xi32, #tpu.memory_space<vmem>>
    %dma_start3A_50 = tpu.memref_squeeze %dma_start3A_49 : memref<1x50xi32, #tpu.memory_space<vmem>> -> memref<50xi32, #tpu.memory_space<vmem>>
    %dma_start3A_51 = arith.constant 0 : i32
    %dma_start3A_52 = arith.constant 0 : i32
    %dma_start3A_53 = tpu.memref_slice %arg2[%dma_start3A_51, %dma_start3A_52] : memref<100000x128xf32, #tpu.memory_space<hbm>> -> memref<100000x128xf32, #tpu.memory_space<hbm>>
    tpu.enqueue_indirect_dma source(%dma_start3A_53 : memref<100000x128xf32, #tpu.memory_space<hbm>>) target(%dma_start3A_47 : memref<50x128xf32, #tpu.memory_space<vmem>>) offsets(%dma_start3A_50 : memref<50xi32, #tpu.memory_space<vmem>>) semaphore(%arg7 : memref<!tpu.dma_semaphore, #tpu.memory_space<semaphore_mem>>)
    %dma_start3A_54 = arith.constant 5 : i32
    %dma_start3A_55 = arith.constant 250 : i32
    %dma_start3A_56 = arith.constant 0 : i32
    %dma_start3A_57 = tpu.memref_slice %arg6[%dma_start3A_55, %dma_start3A_56] : memref<400x128xf32, #tpu.memory_space<vmem>> -> memref<50x128xf32, #tpu.memory_space<vmem>>
    %dma_start3A_58 = arith.constant 0 : i32
    %dma_start3A_59 = tpu.memref_slice %arg5[%dma_start3A_54, %dma_start3A_58] : memref<8x50xi32, #tpu.memory_space<vmem>> -> memref<1x50xi32, #tpu.memory_space<vmem>>
    %dma_start3A_60 = tpu.memref_squeeze %dma_start3A_59 : memref<1x50xi32, #tpu.memory_space<vmem>> -> memref<50xi32, #tpu.memory_space<vmem>>
    %dma_start3A_61 = arith.constant 0 : i32
    %dma_start3A_62 = arith.constant 0 : i32
    %dma_start3A_63 = tpu.memref_slice %arg2[%dma_start3A_61, %dma_start3A_62] : memref<100000x128xf32, #tpu.memory_space<hbm>> -> memref<100000x128xf32, #tpu.memory_space<hbm>>
    tpu.enqueue_indirect_dma source(%dma_start3A_63 : memref<100000x128xf32, #tpu.memory_space<hbm>>) target(%dma_start3A_57 : memref<50x128xf32, #tpu.memory_space<vmem>>) offsets(%dma_start3A_60 : memref<50xi32, #tpu.memory_space<vmem>>) semaphore(%arg7 : memref<!tpu.dma_semaphore, #tpu.memory_space<semaphore_mem>>)
    %dma_start3A_64 = arith.constant 6 : i32
    %dma_start3A_65 = arith.constant 300 : i32
    %dma_start3A_66 = arith.constant 0 : i32
    %dma_start3A_67 = tpu.memref_slice %arg6[%dma_start3A_65, %dma_start3A_66] : memref<400x128xf32, #tpu.memory_space<vmem>> -> memref<50x128xf32, #tpu.memory_space<vmem>>
    %dma_start3A_68 = arith.constant 0 : i32
    %dma_start3A_69 = tpu.memref_slice %arg5[%dma_start3A_64, %dma_start3A_68] : memref<8x50xi32, #tpu.memory_space<vmem>> -> memref<1x50xi32, #tpu.memory_space<vmem>>
    %dma_start3A_70 = tpu.memref_squeeze %dma_start3A_69 : memref<1x50xi32, #tpu.memory_space<vmem>> -> memref<50xi32, #tpu.memory_space<vmem>>
    %dma_start3A_71 = arith.constant 0 : i32
    %dma_start3A_72 = arith.constant 0 : i32
    %dma_start3A_73 = tpu.memref_slice %arg2[%dma_start3A_71, %dma_start3A_72] : memref<100000x128xf32, #tpu.memory_space<hbm>> -> memref<100000x128xf32, #tpu.memory_space<hbm>>
    tpu.enqueue_indirect_dma source(%dma_start3A_73 : memref<100000x128xf32, #tpu.memory_space<hbm>>) target(%dma_start3A_67 : memref<50x128xf32, #tpu.memory_space<vmem>>) offsets(%dma_start3A_70 : memref<50xi32, #tpu.memory_space<vmem>>) semaphore(%arg7 : memref<!tpu.dma_semaphore, #tpu.memory_space<semaphore_mem>>)
    %dma_start3A_74 = arith.constant 7 : i32
    %dma_start3A_75 = arith.constant 350 : i32
    %dma_start3A_76 = arith.constant 0 : i32
    %dma_start3A_77 = tpu.memref_slice %arg6[%dma_start3A_75, %dma_start3A_76] : memref<400x128xf32, #tpu.memory_space<vmem>> -> memref<50x128xf32, #tpu.memory_space<vmem>>
    %dma_start3A_78 = arith.constant 0 : i32
    %dma_start3A_79 = tpu.memref_slice %arg5[%dma_start3A_74, %dma_start3A_78] : memref<8x50xi32, #tpu.memory_space<vmem>> -> memref<1x50xi32, #tpu.memory_space<vmem>>
    %dma_start3A_80 = tpu.memref_squeeze %dma_start3A_79 : memref<1x50xi32, #tpu.memory_space<vmem>> -> memref<50xi32, #tpu.memory_space<vmem>>
    %dma_start3A_81 = arith.constant 0 : i32
    %dma_start3A_82 = arith.constant 0 : i32
    %dma_start3A_83 = tpu.memref_slice %arg2[%dma_start3A_81, %dma_start3A_82] : memref<100000x128xf32, #tpu.memory_space<hbm>> -> memref<100000x128xf32, #tpu.memory_space<hbm>>
    tpu.enqueue_indirect_dma source(%dma_start3A_83 : memref<100000x128xf32, #tpu.memory_space<hbm>>) target(%dma_start3A_77 : memref<50x128xf32, #tpu.memory_space<vmem>>) offsets(%dma_start3A_80 : memref<50xi32, #tpu.memory_space<vmem>>) semaphore(%arg7 : memref<!tpu.dma_semaphore, #tpu.memory_space<semaphore_mem>>)
    %dma_wait3A = arith.constant 0 : i32
    %dma_wait3A_84 = arith.constant 0 : i32
    %dma_wait3A_85 = arith.constant 0 : i32
    %dma_wait3A_86 = tpu.memref_slice %arg6[%dma_wait3A_84, %dma_wait3A_85] : memref<400x128xf32, #tpu.memory_space<vmem>> -> memref<50x128xf32, #tpu.memory_space<vmem>>
    %dma_wait3A_87 = arith.constant 0 : i32
    %dma_wait3A_88 = tpu.memref_slice %arg5[%dma_wait3A, %dma_wait3A_87] : memref<8x50xi32, #tpu.memory_space<vmem>> -> memref<1x50xi32, #tpu.memory_space<vmem>>
    %dma_wait3A_89 = tpu.memref_squeeze %dma_wait3A_88 : memref<1x50xi32, #tpu.memory_space<vmem>> -> memref<50xi32, #tpu.memory_space<vmem>>
    %dma_wait3A_90 = arith.constant 0 : i32
    %dma_wait3A_91 = arith.constant 0 : i32
    %dma_wait3A_92 = tpu.memref_slice %arg2[%dma_wait3A_90, %dma_wait3A_91] : memref<100000x128xf32, #tpu.memory_space<hbm>> -> memref<100000x128xf32, #tpu.memory_space<hbm>>
    tpu.wait_indirect_dma semaphore(%arg7 : memref<!tpu.dma_semaphore, #tpu.memory_space<semaphore_mem>>) src(%dma_wait3A_92 : memref<100000x128xf32, #tpu.memory_space<hbm>>) dst(%dma_wait3A_86 : memref<50x128xf32, #tpu.memory_space<vmem>>)
    %dma_wait3A_93 = arith.constant 1 : i32
    %dma_wait3A_94 = arith.constant 50 : i32
    %dma_wait3A_95 = arith.constant 0 : i32
    %dma_wait3A_96 = tpu.memref_slice %arg6[%dma_wait3A_94, %dma_wait3A_95] : memref<400x128xf32, #tpu.memory_space<vmem>> -> memref<50x128xf32, #tpu.memory_space<vmem>>
    %dma_wait3A_97 = arith.constant 0 : i32
    %dma_wait3A_98 = tpu.memref_slice %arg5[%dma_wait3A_93, %dma_wait3A_97] : memref<8x50xi32, #tpu.memory_space<vmem>> -> memref<1x50xi32, #tpu.memory_space<vmem>>
    %dma_wait3A_99 = tpu.memref_squeeze %dma_wait3A_98 : memref<1x50xi32, #tpu.memory_space<vmem>> -> memref<50xi32, #tpu.memory_space<vmem>>
    %dma_wait3A_100 = arith.constant 0 : i32
    %dma_wait3A_101 = arith.constant 0 : i32
    %dma_wait3A_102 = tpu.memref_slice %arg2[%dma_wait3A_100, %dma_wait3A_101] : memref<100000x128xf32, #tpu.memory_space<hbm>> -> memref<100000x128xf32, #tpu.memory_space<hbm>>
    tpu.wait_indirect_dma semaphore(%arg7 : memref<!tpu.dma_semaphore, #tpu.memory_space<semaphore_mem>>) src(%dma_wait3A_102 : memref<100000x128xf32, #tpu.memory_space<hbm>>) dst(%dma_wait3A_96 : memref<50x128xf32, #tpu.memory_space<vmem>>)
    %dma_wait3A_103 = arith.constant 2 : i32
    %dma_wait3A_104 = arith.constant 100 : i32
    %dma_wait3A_105 = arith.constant 0 : i32
    %dma_wait3A_106 = tpu.memref_slice %arg6[%dma_wait3A_104, %dma_wait3A_105] : memref<400x128xf32, #tpu.memory_space<vmem>> -> memref<50x128xf32, #tpu.memory_space<vmem>>
    %dma_wait3A_107 = arith.constant 0 : i32
    %dma_wait3A_108 = tpu.memref_slice %arg5[%dma_wait3A_103, %dma_wait3A_107] : memref<8x50xi32, #tpu.memory_space<vmem>> -> memref<1x50xi32, #tpu.memory_space<vmem>>
    %dma_wait3A_109 = tpu.memref_squeeze %dma_wait3A_108 : memref<1x50xi32, #tpu.memory_space<vmem>> -> memref<50xi32, #tpu.memory_space<vmem>>
    %dma_wait3A_110 = arith.constant 0 : i32
    %dma_wait3A_111 = arith.constant 0 : i32
    %dma_wait3A_112 = tpu.memref_slice %arg2[%dma_wait3A_110, %dma_wait3A_111] : memref<100000x128xf32, #tpu.memory_space<hbm>> -> memref<100000x128xf32, #tpu.memory_space<hbm>>
    tpu.wait_indirect_dma semaphore(%arg7 : memref<!tpu.dma_semaphore, #tpu.memory_space<semaphore_mem>>) src(%dma_wait3A_112 : memref<100000x128xf32, #tpu.memory_space<hbm>>) dst(%dma_wait3A_106 : memref<50x128xf32, #tpu.memory_space<vmem>>)
    %dma_wait3A_113 = arith.constant 3 : i32
    %dma_wait3A_114 = arith.constant 150 : i32
    %dma_wait3A_115 = arith.constant 0 : i32
    %dma_wait3A_116 = tpu.memref_slice %arg6[%dma_wait3A_114, %dma_wait3A_115] : memref<400x128xf32, #tpu.memory_space<vmem>> -> memref<50x128xf32, #tpu.memory_space<vmem>>
    %dma_wait3A_117 = arith.constant 0 : i32
    %dma_wait3A_118 = tpu.memref_slice %arg5[%dma_wait3A_113, %dma_wait3A_117] : memref<8x50xi32, #tpu.memory_space<vmem>> -> memref<1x50xi32, #tpu.memory_space<vmem>>
    %dma_wait3A_119 = tpu.memref_squeeze %dma_wait3A_118 : memref<1x50xi32, #tpu.memory_space<vmem>> -> memref<50xi32, #tpu.memory_space<vmem>>
    %dma_wait3A_120 = arith.constant 0 : i32
    %dma_wait3A_121 = arith.constant 0 : i32
    %dma_wait3A_122 = tpu.memref_slice %arg2[%dma_wait3A_120, %dma_wait3A_121] : memref<100000x128xf32, #tpu.memory_space<hbm>> -> memref<100000x128xf32, #tpu.memory_space<hbm>>
    tpu.wait_indirect_dma semaphore(%arg7 : memref<!tpu.dma_semaphore, #tpu.memory_space<semaphore_mem>>) src(%dma_wait3A_122 : memref<100000x128xf32, #tpu.memory_space<hbm>>) dst(%dma_wait3A_116 : memref<50x128xf32, #tpu.memory_space<vmem>>)
    %dma_wait3A_123 = arith.constant 4 : i32
    %dma_wait3A_124 = arith.constant 200 : i32
    %dma_wait3A_125 = arith.constant 0 : i32
    %dma_wait3A_126 = tpu.memref_slice %arg6[%dma_wait3A_124, %dma_wait3A_125] : memref<400x128xf32, #tpu.memory_space<vmem>> -> memref<50x128xf32, #tpu.memory_space<vmem>>
    %dma_wait3A_127 = arith.constant 0 : i32
    %dma_wait3A_128 = tpu.memref_slice %arg5[%dma_wait3A_123, %dma_wait3A_127] : memref<8x50xi32, #tpu.memory_space<vmem>> -> memref<1x50xi32, #tpu.memory_space<vmem>>
    %dma_wait3A_129 = tpu.memref_squeeze %dma_wait3A_128 : memref<1x50xi32, #tpu.memory_space<vmem>> -> memref<50xi32, #tpu.memory_space<vmem>>
    %dma_wait3A_130 = arith.constant 0 : i32
    %dma_wait3A_131 = arith.constant 0 : i32
    %dma_wait3A_132 = tpu.memref_slice %arg2[%dma_wait3A_130, %dma_wait3A_131] : memref<100000x128xf32, #tpu.memory_space<hbm>> -> memref<100000x128xf32, #tpu.memory_space<hbm>>
    tpu.wait_indirect_dma semaphore(%arg7 : memref<!tpu.dma_semaphore, #tpu.memory_space<semaphore_mem>>) src(%dma_wait3A_132 : memref<100000x128xf32, #tpu.memory_space<hbm>>) dst(%dma_wait3A_126 : memref<50x128xf32, #tpu.memory_space<vmem>>)
    %dma_wait3A_133 = arith.constant 5 : i32
    %dma_wait3A_134 = arith.constant 250 : i32
    %dma_wait3A_135 = arith.constant 0 : i32
    %dma_wait3A_136 = tpu.memref_slice %arg6[%dma_wait3A_134, %dma_wait3A_135] : memref<400x128xf32, #tpu.memory_space<vmem>> -> memref<50x128xf32, #tpu.memory_space<vmem>>
    %dma_wait3A_137 = arith.constant 0 : i32
    %dma_wait3A_138 = tpu.memref_slice %arg5[%dma_wait3A_133, %dma_wait3A_137] : memref<8x50xi32, #tpu.memory_space<vmem>> -> memref<1x50xi32, #tpu.memory_space<vmem>>
    %dma_wait3A_139 = tpu.memref_squeeze %dma_wait3A_138 : memref<1x50xi32, #tpu.memory_space<vmem>> -> memref<50xi32, #tpu.memory_space<vmem>>
    %dma_wait3A_140 = arith.constant 0 : i32
    %dma_wait3A_141 = arith.constant 0 : i32
    %dma_wait3A_142 = tpu.memref_slice %arg2[%dma_wait3A_140, %dma_wait3A_141] : memref<100000x128xf32, #tpu.memory_space<hbm>> -> memref<100000x128xf32, #tpu.memory_space<hbm>>
    tpu.wait_indirect_dma semaphore(%arg7 : memref<!tpu.dma_semaphore, #tpu.memory_space<semaphore_mem>>) src(%dma_wait3A_142 : memref<100000x128xf32, #tpu.memory_space<hbm>>) dst(%dma_wait3A_136 : memref<50x128xf32, #tpu.memory_space<vmem>>)
    %dma_wait3A_143 = arith.constant 6 : i32
    %dma_wait3A_144 = arith.constant 300 : i32
    %dma_wait3A_145 = arith.constant 0 : i32
    %dma_wait3A_146 = tpu.memref_slice %arg6[%dma_wait3A_144, %dma_wait3A_145] : memref<400x128xf32, #tpu.memory_space<vmem>> -> memref<50x128xf32, #tpu.memory_space<vmem>>
    %dma_wait3A_147 = arith.constant 0 : i32
    %dma_wait3A_148 = tpu.memref_slice %arg5[%dma_wait3A_143, %dma_wait3A_147] : memref<8x50xi32, #tpu.memory_space<vmem>> -> memref<1x50xi32, #tpu.memory_space<vmem>>
    %dma_wait3A_149 = tpu.memref_squeeze %dma_wait3A_148 : memref<1x50xi32, #tpu.memory_space<vmem>> -> memref<50xi32, #tpu.memory_space<vmem>>
    %dma_wait3A_150 = arith.constant 0 : i32
    %dma_wait3A_151 = arith.constant 0 : i32
    %dma_wait3A_152 = tpu.memref_slice %arg2[%dma_wait3A_150, %dma_wait3A_151] : memref<100000x128xf32, #tpu.memory_space<hbm>> -> memref<100000x128xf32, #tpu.memory_space<hbm>>
    tpu.wait_indirect_dma semaphore(%arg7 : memref<!tpu.dma_semaphore, #tpu.memory_space<semaphore_mem>>) src(%dma_wait3A_152 : memref<100000x128xf32, #tpu.memory_space<hbm>>) dst(%dma_wait3A_146 : memref<50x128xf32, #tpu.memory_space<vmem>>)
    %dma_wait3A_153 = arith.constant 7 : i32
    %dma_wait3A_154 = arith.constant 350 : i32
    %dma_wait3A_155 = arith.constant 0 : i32
    %dma_wait3A_156 = tpu.memref_slice %arg6[%dma_wait3A_154, %dma_wait3A_155] : memref<400x128xf32, #tpu.memory_space<vmem>> -> memref<50x128xf32, #tpu.memory_space<vmem>>
    %dma_wait3A_157 = arith.constant 0 : i32
    %dma_wait3A_158 = tpu.memref_slice %arg5[%dma_wait3A_153, %dma_wait3A_157] : memref<8x50xi32, #tpu.memory_space<vmem>> -> memref<1x50xi32, #tpu.memory_space<vmem>>
    %dma_wait3A_159 = tpu.memref_squeeze %dma_wait3A_158 : memref<1x50xi32, #tpu.memory_space<vmem>> -> memref<50xi32, #tpu.memory_space<vmem>>
    %dma_wait3A_160 = arith.constant 0 : i32
    %dma_wait3A_161 = arith.constant 0 : i32
    %dma_wait3A_162 = tpu.memref_slice %arg2[%dma_wait3A_160, %dma_wait3A_161] : memref<100000x128xf32, #tpu.memory_space<hbm>> -> memref<100000x128xf32, #tpu.memory_space<hbm>>
    tpu.wait_indirect_dma semaphore(%arg7 : memref<!tpu.dma_semaphore, #tpu.memory_space<semaphore_mem>>) src(%dma_wait3A_162 : memref<100000x128xf32, #tpu.memory_space<hbm>>) dst(%dma_wait3A_156 : memref<50x128xf32, #tpu.memory_space<vmem>>)
    %mul3A_163 = arith.constant 50 : i32
    %mul3A_164 = arith.muli %add3A_4, %mul3A_163 : i32
    "tpu.region"() ({
      %run_scoped3A = tpu.sem_alloc : memref<!tpu.dma_semaphore, #tpu.memory_space<semaphore_mem>>
      %dma_start3A_657 = arith.constant 0 : i32
      %dma_start3A_658 = tpu.memref_slice %arg4[%mul3A_164, %dma_start3A_657] : memref<51200x128xf32, #tpu.memory_space<hbm>> -> memref<400x128xf32, #tpu.memory_space<hbm>>
      %dma_start3A_659 = arith.constant 0 : i32
      %dma_start3A_660 = tpu.memref_slice %arg4[%mul3A_164, %dma_start3A_659] : memref<51200x128xf32, #tpu.memory_space<hbm>> -> memref<400x128xf32, #tpu.memory_space<hbm>>
      tpu.enqueue_dma source(%arg6 : memref<400x128xf32, #tpu.memory_space<vmem>>) target(%dma_start3A_660 : memref<400x128xf32, #tpu.memory_space<hbm>>) target_semaphore(%run_scoped3A : memref<!tpu.dma_semaphore, #tpu.memory_space<semaphore_mem>>)
      %dma_wait3A_661 = arith.constant 0 : i32
      %dma_wait3A_662 = tpu.memref_slice %arg4[%mul3A_164, %dma_wait3A_661] : memref<51200x128xf32, #tpu.memory_space<hbm>> -> memref<400x128xf32, #tpu.memory_space<hbm>>
      %dma_wait3A_663 = arith.constant 0 : i32
      %dma_wait3A_664 = tpu.memref_slice %arg4[%mul3A_164, %dma_wait3A_663] : memref<51200x128xf32, #tpu.memory_space<hbm>> -> memref<400x128xf32, #tpu.memory_space<hbm>>
      tpu.wait_dma2 semaphore(%run_scoped3A : memref<!tpu.dma_semaphore, #tpu.memory_space<semaphore_mem>>) src(%arg6 : memref<400x128xf32, #tpu.memory_space<vmem>>) dst(%dma_wait3A_664 : memref<400x128xf32, #tpu.memory_space<hbm>>)
      tpu.yield
    }) : () -> ()
    %add3A_165 = arith.constant 8 : i32
    %add3A_166 = arith.addi %mul3A_2, %add3A_165 : i32
    "tpu.region"() ({
      %run_scoped3A = tpu.sem_alloc : memref<!tpu.dma_semaphore, #tpu.memory_space<semaphore_mem>>
      %dma_start3A_657 = arith.constant 0 : i32
      %dma_start3A_658 = tpu.memref_slice %arg3[%add3A_166, %dma_start3A_657] : memref<1024x50xi32, #tpu.memory_space<hbm>> -> memref<8x50xi32, #tpu.memory_space<hbm>>
      %dma_start3A_659 = arith.constant 0 : i32
      %dma_start3A_660 = tpu.memref_slice %arg3[%add3A_166, %dma_start3A_659] : memref<1024x50xi32, #tpu.memory_space<hbm>> -> memref<8x50xi32, #tpu.memory_space<hbm>>
      tpu.enqueue_dma source(%dma_start3A_660 : memref<8x50xi32, #tpu.memory_space<hbm>>) target(%arg5 : memref<8x50xi32, #tpu.memory_space<vmem>>) target_semaphore(%run_scoped3A : memref<!tpu.dma_semaphore, #tpu.memory_space<semaphore_mem>>)
      %dma_wait3A_661 = arith.constant 0 : i32
      %dma_wait3A_662 = tpu.memref_slice %arg3[%add3A_166, %dma_wait3A_661] : memref<1024x50xi32, #tpu.memory_space<hbm>> -> memref<8x50xi32, #tpu.memory_space<hbm>>
      %dma_wait3A_663 = arith.constant 0 : i32
      %dma_wait3A_664 = tpu.memref_slice %arg3[%add3A_166, %dma_wait3A_663] : memref<1024x50xi32, #tpu.memory_space<hbm>> -> memref<8x50xi32, #tpu.memory_space<hbm>>
      tpu.wait_dma2 semaphore(%run_scoped3A : memref<!tpu.dma_semaphore, #tpu.memory_space<semaphore_mem>>) src(%dma_wait3A_664 : memref<8x50xi32, #tpu.memory_space<hbm>>) dst(%arg5 : memref<8x50xi32, #tpu.memory_space<vmem>>)
      tpu.yield
    }) : () -> ()
    %dma_start3A_167 = arith.constant 0 : i32
    %dma_start3A_168 = arith.constant 0 : i32
    %dma_start3A_169 = arith.constant 0 : i32
    %dma_start3A_170 = tpu.memref_slice %arg6[%dma_start3A_168, %dma_start3A_169] : memref<400x128xf32, #tpu.memory_space<vmem>> -> memref<50x128xf32, #tpu.memory_space<vmem>>
    %dma_start3A_171 = arith.constant 0 : i32
    %dma_start3A_172 = tpu.memref_slice %arg5[%dma_start3A_167, %dma_start3A_171] : memref<8x50xi32, #tpu.memory_space<vmem>> -> memref<1x50xi32, #tpu.memory_space<vmem>>
    %dma_start3A_173 = tpu.memref_squeeze %dma_start3A_172 : memref<1x50xi32, #tpu.memory_space<vmem>> -> memref<50xi32, #tpu.memory_space<vmem>>
    %dma_start3A_174 = arith.constant 0 : i32
    %dma_start3A_175 = arith.constant 0 : i32
    %dma_start3A_176 = tpu.memref_slice %arg2[%dma_start3A_174, %dma_start3A_175] : memref<100000x128xf32, #tpu.memory_space<hbm>> -> memref<100000x128xf32, #tpu.memory_space<hbm>>
    tpu.enqueue_indirect_dma source(%dma_start3A_176 : memref<100000x128xf32, #tpu.memory_space<hbm>>) target(%dma_start3A_170 : memref<50x128xf32, #tpu.memory_space<vmem>>) offsets(%dma_start3A_173 : memref<50xi32, #tpu.memory_space<vmem>>) semaphore(%arg7 : memref<!tpu.dma_semaphore, #tpu.memory_space<semaphore_mem>>)
    %dma_start3A_177 = arith.constant 1 : i32
    %dma_start3A_178 = arith.constant 50 : i32
    %dma_start3A_179 = arith.constant 0 : i32
    %dma_start3A_180 = tpu.memref_slice %arg6[%dma_start3A_178, %dma_start3A_179] : memref<400x128xf32, #tpu.memory_space<vmem>> -> memref<50x128xf32, #tpu.memory_space<vmem>>
    %dma_start3A_181 = arith.constant 0 : i32
    %dma_start3A_182 = tpu.memref_slice %arg5[%dma_start3A_177, %dma_start3A_181] : memref<8x50xi32, #tpu.memory_space<vmem>> -> memref<1x50xi32, #tpu.memory_space<vmem>>
    %dma_start3A_183 = tpu.memref_squeeze %dma_start3A_182 : memref<1x50xi32, #tpu.memory_space<vmem>> -> memref<50xi32, #tpu.memory_space<vmem>>
    %dma_start3A_184 = arith.constant 0 : i32
    %dma_start3A_185 = arith.constant 0 : i32
    %dma_start3A_186 = tpu.memref_slice %arg2[%dma_start3A_184, %dma_start3A_185] : memref<100000x128xf32, #tpu.memory_space<hbm>> -> memref<100000x128xf32, #tpu.memory_space<hbm>>
    tpu.enqueue_indirect_dma source(%dma_start3A_186 : memref<100000x128xf32, #tpu.memory_space<hbm>>) target(%dma_start3A_180 : memref<50x128xf32, #tpu.memory_space<vmem>>) offsets(%dma_start3A_183 : memref<50xi32, #tpu.memory_space<vmem>>) semaphore(%arg7 : memref<!tpu.dma_semaphore, #tpu.memory_space<semaphore_mem>>)
    %dma_start3A_187 = arith.constant 2 : i32
    %dma_start3A_188 = arith.constant 100 : i32
    %dma_start3A_189 = arith.constant 0 : i32
    %dma_start3A_190 = tpu.memref_slice %arg6[%dma_start3A_188, %dma_start3A_189] : memref<400x128xf32, #tpu.memory_space<vmem>> -> memref<50x128xf32, #tpu.memory_space<vmem>>
    %dma_start3A_191 = arith.constant 0 : i32
    %dma_start3A_192 = tpu.memref_slice %arg5[%dma_start3A_187, %dma_start3A_191] : memref<8x50xi32, #tpu.memory_space<vmem>> -> memref<1x50xi32, #tpu.memory_space<vmem>>
    %dma_start3A_193 = tpu.memref_squeeze %dma_start3A_192 : memref<1x50xi32, #tpu.memory_space<vmem>> -> memref<50xi32, #tpu.memory_space<vmem>>
    %dma_start3A_194 = arith.constant 0 : i32
    %dma_start3A_195 = arith.constant 0 : i32
    %dma_start3A_196 = tpu.memref_slice %arg2[%dma_start3A_194, %dma_start3A_195] : memref<100000x128xf32, #tpu.memory_space<hbm>> -> memref<100000x128xf32, #tpu.memory_space<hbm>>
    tpu.enqueue_indirect_dma source(%dma_start3A_196 : memref<100000x128xf32, #tpu.memory_space<hbm>>) target(%dma_start3A_190 : memref<50x128xf32, #tpu.memory_space<vmem>>) offsets(%dma_start3A_193 : memref<50xi32, #tpu.memory_space<vmem>>) semaphore(%arg7 : memref<!tpu.dma_semaphore, #tpu.memory_space<semaphore_mem>>)
    %dma_start3A_197 = arith.constant 3 : i32
    %dma_start3A_198 = arith.constant 150 : i32
    %dma_start3A_199 = arith.constant 0 : i32
    %dma_start3A_200 = tpu.memref_slice %arg6[%dma_start3A_198, %dma_start3A_199] : memref<400x128xf32, #tpu.memory_space<vmem>> -> memref<50x128xf32, #tpu.memory_space<vmem>>
    %dma_start3A_201 = arith.constant 0 : i32
    %dma_start3A_202 = tpu.memref_slice %arg5[%dma_start3A_197, %dma_start3A_201] : memref<8x50xi32, #tpu.memory_space<vmem>> -> memref<1x50xi32, #tpu.memory_space<vmem>>
    %dma_start3A_203 = tpu.memref_squeeze %dma_start3A_202 : memref<1x50xi32, #tpu.memory_space<vmem>> -> memref<50xi32, #tpu.memory_space<vmem>>
    %dma_start3A_204 = arith.constant 0 : i32
    %dma_start3A_205 = arith.constant 0 : i32
    %dma_start3A_206 = tpu.memref_slice %arg2[%dma_start3A_204, %dma_start3A_205] : memref<100000x128xf32, #tpu.memory_space<hbm>> -> memref<100000x128xf32, #tpu.memory_space<hbm>>
    tpu.enqueue_indirect_dma source(%dma_start3A_206 : memref<100000x128xf32, #tpu.memory_space<hbm>>) target(%dma_start3A_200 : memref<50x128xf32, #tpu.memory_space<vmem>>) offsets(%dma_start3A_203 : memref<50xi32, #tpu.memory_space<vmem>>) semaphore(%arg7 : memref<!tpu.dma_semaphore, #tpu.memory_space<semaphore_mem>>)
    %dma_start3A_207 = arith.constant 4 : i32
    %dma_start3A_208 = arith.constant 200 : i32
    %dma_start3A_209 = arith.constant 0 : i32
    %dma_start3A_210 = tpu.memref_slice %arg6[%dma_start3A_208, %dma_start3A_209] : memref<400x128xf32, #tpu.memory_space<vmem>> -> memref<50x128xf32, #tpu.memory_space<vmem>>
    %dma_start3A_211 = arith.constant 0 : i32
    %dma_start3A_212 = tpu.memref_slice %arg5[%dma_start3A_207, %dma_start3A_211] : memref<8x50xi32, #tpu.memory_space<vmem>> -> memref<1x50xi32, #tpu.memory_space<vmem>>
    %dma_start3A_213 = tpu.memref_squeeze %dma_start3A_212 : memref<1x50xi32, #tpu.memory_space<vmem>> -> memref<50xi32, #tpu.memory_space<vmem>>
    %dma_start3A_214 = arith.constant 0 : i32
    %dma_start3A_215 = arith.constant 0 : i32
    %dma_start3A_216 = tpu.memref_slice %arg2[%dma_start3A_214, %dma_start3A_215] : memref<100000x128xf32, #tpu.memory_space<hbm>> -> memref<100000x128xf32, #tpu.memory_space<hbm>>
    tpu.enqueue_indirect_dma source(%dma_start3A_216 : memref<100000x128xf32, #tpu.memory_space<hbm>>) target(%dma_start3A_210 : memref<50x128xf32, #tpu.memory_space<vmem>>) offsets(%dma_start3A_213 : memref<50xi32, #tpu.memory_space<vmem>>) semaphore(%arg7 : memref<!tpu.dma_semaphore, #tpu.memory_space<semaphore_mem>>)
    %dma_start3A_217 = arith.constant 5 : i32
    %dma_start3A_218 = arith.constant 250 : i32
    %dma_start3A_219 = arith.constant 0 : i32
    %dma_start3A_220 = tpu.memref_slice %arg6[%dma_start3A_218, %dma_start3A_219] : memref<400x128xf32, #tpu.memory_space<vmem>> -> memref<50x128xf32, #tpu.memory_space<vmem>>
    %dma_start3A_221 = arith.constant 0 : i32
    %dma_start3A_222 = tpu.memref_slice %arg5[%dma_start3A_217, %dma_start3A_221] : memref<8x50xi32, #tpu.memory_space<vmem>> -> memref<1x50xi32, #tpu.memory_space<vmem>>
    %dma_start3A_223 = tpu.memref_squeeze %dma_start3A_222 : memref<1x50xi32, #tpu.memory_space<vmem>> -> memref<50xi32, #tpu.memory_space<vmem>>
    %dma_start3A_224 = arith.constant 0 : i32
    %dma_start3A_225 = arith.constant 0 : i32
    %dma_start3A_226 = tpu.memref_slice %arg2[%dma_start3A_224, %dma_start3A_225] : memref<100000x128xf32, #tpu.memory_space<hbm>> -> memref<100000x128xf32, #tpu.memory_space<hbm>>
    tpu.enqueue_indirect_dma source(%dma_start3A_226 : memref<100000x128xf32, #tpu.memory_space<hbm>>) target(%dma_start3A_220 : memref<50x128xf32, #tpu.memory_space<vmem>>) offsets(%dma_start3A_223 : memref<50xi32, #tpu.memory_space<vmem>>) semaphore(%arg7 : memref<!tpu.dma_semaphore, #tpu.memory_space<semaphore_mem>>)
    %dma_start3A_227 = arith.constant 6 : i32
    %dma_start3A_228 = arith.constant 300 : i32
    %dma_start3A_229 = arith.constant 0 : i32
    %dma_start3A_230 = tpu.memref_slice %arg6[%dma_start3A_228, %dma_start3A_229] : memref<400x128xf32, #tpu.memory_space<vmem>> -> memref<50x128xf32, #tpu.memory_space<vmem>>
    %dma_start3A_231 = arith.constant 0 : i32
    %dma_start3A_232 = tpu.memref_slice %arg5[%dma_start3A_227, %dma_start3A_231] : memref<8x50xi32, #tpu.memory_space<vmem>> -> memref<1x50xi32, #tpu.memory_space<vmem>>
    %dma_start3A_233 = tpu.memref_squeeze %dma_start3A_232 : memref<1x50xi32, #tpu.memory_space<vmem>> -> memref<50xi32, #tpu.memory_space<vmem>>
    %dma_start3A_234 = arith.constant 0 : i32
    %dma_start3A_235 = arith.constant 0 : i32
    %dma_start3A_236 = tpu.memref_slice %arg2[%dma_start3A_234, %dma_start3A_235] : memref<100000x128xf32, #tpu.memory_space<hbm>> -> memref<100000x128xf32, #tpu.memory_space<hbm>>
    tpu.enqueue_indirect_dma source(%dma_start3A_236 : memref<100000x128xf32, #tpu.memory_space<hbm>>) target(%dma_start3A_230 : memref<50x128xf32, #tpu.memory_space<vmem>>) offsets(%dma_start3A_233 : memref<50xi32, #tpu.memory_space<vmem>>) semaphore(%arg7 : memref<!tpu.dma_semaphore, #tpu.memory_space<semaphore_mem>>)
    %dma_start3A_237 = arith.constant 7 : i32
    %dma_start3A_238 = arith.constant 350 : i32
    %dma_start3A_239 = arith.constant 0 : i32
    %dma_start3A_240 = tpu.memref_slice %arg6[%dma_start3A_238, %dma_start3A_239] : memref<400x128xf32, #tpu.memory_space<vmem>> -> memref<50x128xf32, #tpu.memory_space<vmem>>
    %dma_start3A_241 = arith.constant 0 : i32
    %dma_start3A_242 = tpu.memref_slice %arg5[%dma_start3A_237, %dma_start3A_241] : memref<8x50xi32, #tpu.memory_space<vmem>> -> memref<1x50xi32, #tpu.memory_space<vmem>>
    %dma_start3A_243 = tpu.memref_squeeze %dma_start3A_242 : memref<1x50xi32, #tpu.memory_space<vmem>> -> memref<50xi32, #tpu.memory_space<vmem>>
    %dma_start3A_244 = arith.constant 0 : i32
    %dma_start3A_245 = arith.constant 0 : i32
    %dma_start3A_246 = tpu.memref_slice %arg2[%dma_start3A_244, %dma_start3A_245] : memref<100000x128xf32, #tpu.memory_space<hbm>> -> memref<100000x128xf32, #tpu.memory_space<hbm>>
    tpu.enqueue_indirect_dma source(%dma_start3A_246 : memref<100000x128xf32, #tpu.memory_space<hbm>>) target(%dma_start3A_240 : memref<50x128xf32, #tpu.memory_space<vmem>>) offsets(%dma_start3A_243 : memref<50xi32, #tpu.memory_space<vmem>>) semaphore(%arg7 : memref<!tpu.dma_semaphore, #tpu.memory_space<semaphore_mem>>)
    %dma_wait3A_247 = arith.constant 0 : i32
    %dma_wait3A_248 = arith.constant 0 : i32
    %dma_wait3A_249 = arith.constant 0 : i32
    %dma_wait3A_250 = tpu.memref_slice %arg6[%dma_wait3A_248, %dma_wait3A_249] : memref<400x128xf32, #tpu.memory_space<vmem>> -> memref<50x128xf32, #tpu.memory_space<vmem>>
    %dma_wait3A_251 = arith.constant 0 : i32
    %dma_wait3A_252 = tpu.memref_slice %arg5[%dma_wait3A_247, %dma_wait3A_251] : memref<8x50xi32, #tpu.memory_space<vmem>> -> memref<1x50xi32, #tpu.memory_space<vmem>>
    %dma_wait3A_253 = tpu.memref_squeeze %dma_wait3A_252 : memref<1x50xi32, #tpu.memory_space<vmem>> -> memref<50xi32, #tpu.memory_space<vmem>>
    %dma_wait3A_254 = arith.constant 0 : i32
    %dma_wait3A_255 = arith.constant 0 : i32
    %dma_wait3A_256 = tpu.memref_slice %arg2[%dma_wait3A_254, %dma_wait3A_255] : memref<100000x128xf32, #tpu.memory_space<hbm>> -> memref<100000x128xf32, #tpu.memory_space<hbm>>
    tpu.wait_indirect_dma semaphore(%arg7 : memref<!tpu.dma_semaphore, #tpu.memory_space<semaphore_mem>>) src(%dma_wait3A_256 : memref<100000x128xf32, #tpu.memory_space<hbm>>) dst(%dma_wait3A_250 : memref<50x128xf32, #tpu.memory_space<vmem>>)
    %dma_wait3A_257 = arith.constant 1 : i32
    %dma_wait3A_258 = arith.constant 50 : i32
    %dma_wait3A_259 = arith.constant 0 : i32
    %dma_wait3A_260 = tpu.memref_slice %arg6[%dma_wait3A_258, %dma_wait3A_259] : memref<400x128xf32, #tpu.memory_space<vmem>> -> memref<50x128xf32, #tpu.memory_space<vmem>>
    %dma_wait3A_261 = arith.constant 0 : i32
    %dma_wait3A_262 = tpu.memref_slice %arg5[%dma_wait3A_257, %dma_wait3A_261] : memref<8x50xi32, #tpu.memory_space<vmem>> -> memref<1x50xi32, #tpu.memory_space<vmem>>
    %dma_wait3A_263 = tpu.memref_squeeze %dma_wait3A_262 : memref<1x50xi32, #tpu.memory_space<vmem>> -> memref<50xi32, #tpu.memory_space<vmem>>
    %dma_wait3A_264 = arith.constant 0 : i32
    %dma_wait3A_265 = arith.constant 0 : i32
    %dma_wait3A_266 = tpu.memref_slice %arg2[%dma_wait3A_264, %dma_wait3A_265] : memref<100000x128xf32, #tpu.memory_space<hbm>> -> memref<100000x128xf32, #tpu.memory_space<hbm>>
    tpu.wait_indirect_dma semaphore(%arg7 : memref<!tpu.dma_semaphore, #tpu.memory_space<semaphore_mem>>) src(%dma_wait3A_266 : memref<100000x128xf32, #tpu.memory_space<hbm>>) dst(%dma_wait3A_260 : memref<50x128xf32, #tpu.memory_space<vmem>>)
    %dma_wait3A_267 = arith.constant 2 : i32
    %dma_wait3A_268 = arith.constant 100 : i32
    %dma_wait3A_269 = arith.constant 0 : i32
    %dma_wait3A_270 = tpu.memref_slice %arg6[%dma_wait3A_268, %dma_wait3A_269] : memref<400x128xf32, #tpu.memory_space<vmem>> -> memref<50x128xf32, #tpu.memory_space<vmem>>
    %dma_wait3A_271 = arith.constant 0 : i32
    %dma_wait3A_272 = tpu.memref_slice %arg5[%dma_wait3A_267, %dma_wait3A_271] : memref<8x50xi32, #tpu.memory_space<vmem>> -> memref<1x50xi32, #tpu.memory_space<vmem>>
    %dma_wait3A_273 = tpu.memref_squeeze %dma_wait3A_272 : memref<1x50xi32, #tpu.memory_space<vmem>> -> memref<50xi32, #tpu.memory_space<vmem>>
    %dma_wait3A_274 = arith.constant 0 : i32
    %dma_wait3A_275 = arith.constant 0 : i32
    %dma_wait3A_276 = tpu.memref_slice %arg2[%dma_wait3A_274, %dma_wait3A_275] : memref<100000x128xf32, #tpu.memory_space<hbm>> -> memref<100000x128xf32, #tpu.memory_space<hbm>>
    tpu.wait_indirect_dma semaphore(%arg7 : memref<!tpu.dma_semaphore, #tpu.memory_space<semaphore_mem>>) src(%dma_wait3A_276 : memref<100000x128xf32, #tpu.memory_space<hbm>>) dst(%dma_wait3A_270 : memref<50x128xf32, #tpu.memory_space<vmem>>)
    %dma_wait3A_277 = arith.constant 3 : i32
    %dma_wait3A_278 = arith.constant 150 : i32
    %dma_wait3A_279 = arith.constant 0 : i32
    %dma_wait3A_280 = tpu.memref_slice %arg6[%dma_wait3A_278, %dma_wait3A_279] : memref<400x128xf32, #tpu.memory_space<vmem>> -> memref<50x128xf32, #tpu.memory_space<vmem>>
    %dma_wait3A_281 = arith.constant 0 : i32
    %dma_wait3A_282 = tpu.memref_slice %arg5[%dma_wait3A_277, %dma_wait3A_281] : memref<8x50xi32, #tpu.memory_space<vmem>> -> memref<1x50xi32, #tpu.memory_space<vmem>>
    %dma_wait3A_283 = tpu.memref_squeeze %dma_wait3A_282 : memref<1x50xi32, #tpu.memory_space<vmem>> -> memref<50xi32, #tpu.memory_space<vmem>>
    %dma_wait3A_284 = arith.constant 0 : i32
    %dma_wait3A_285 = arith.constant 0 : i32
    %dma_wait3A_286 = tpu.memref_slice %arg2[%dma_wait3A_284, %dma_wait3A_285] : memref<100000x128xf32, #tpu.memory_space<hbm>> -> memref<100000x128xf32, #tpu.memory_space<hbm>>
    tpu.wait_indirect_dma semaphore(%arg7 : memref<!tpu.dma_semaphore, #tpu.memory_space<semaphore_mem>>) src(%dma_wait3A_286 : memref<100000x128xf32, #tpu.memory_space<hbm>>) dst(%dma_wait3A_280 : memref<50x128xf32, #tpu.memory_space<vmem>>)
    %dma_wait3A_287 = arith.constant 4 : i32
    %dma_wait3A_288 = arith.constant 200 : i32
    %dma_wait3A_289 = arith.constant 0 : i32
    %dma_wait3A_290 = tpu.memref_slice %arg6[%dma_wait3A_288, %dma_wait3A_289] : memref<400x128xf32, #tpu.memory_space<vmem>> -> memref<50x128xf32, #tpu.memory_space<vmem>>
    %dma_wait3A_291 = arith.constant 0 : i32
    %dma_wait3A_292 = tpu.memref_slice %arg5[%dma_wait3A_287, %dma_wait3A_291] : memref<8x50xi32, #tpu.memory_space<vmem>> -> memref<1x50xi32, #tpu.memory_space<vmem>>
    %dma_wait3A_293 = tpu.memref_squeeze %dma_wait3A_292 : memref<1x50xi32, #tpu.memory_space<vmem>> -> memref<50xi32, #tpu.memory_space<vmem>>
    %dma_wait3A_294 = arith.constant 0 : i32
    %dma_wait3A_295 = arith.constant 0 : i32
    %dma_wait3A_296 = tpu.memref_slice %arg2[%dma_wait3A_294, %dma_wait3A_295] : memref<100000x128xf32, #tpu.memory_space<hbm>> -> memref<100000x128xf32, #tpu.memory_space<hbm>>
    tpu.wait_indirect_dma semaphore(%arg7 : memref<!tpu.dma_semaphore, #tpu.memory_space<semaphore_mem>>) src(%dma_wait3A_296 : memref<100000x128xf32, #tpu.memory_space<hbm>>) dst(%dma_wait3A_290 : memref<50x128xf32, #tpu.memory_space<vmem>>)
    %dma_wait3A_297 = arith.constant 5 : i32
    %dma_wait3A_298 = arith.constant 250 : i32
    %dma_wait3A_299 = arith.constant 0 : i32
    %dma_wait3A_300 = tpu.memref_slice %arg6[%dma_wait3A_298, %dma_wait3A_299] : memref<400x128xf32, #tpu.memory_space<vmem>> -> memref<50x128xf32, #tpu.memory_space<vmem>>
    %dma_wait3A_301 = arith.constant 0 : i32
    %dma_wait3A_302 = tpu.memref_slice %arg5[%dma_wait3A_297, %dma_wait3A_301] : memref<8x50xi32, #tpu.memory_space<vmem>> -> memref<1x50xi32, #tpu.memory_space<vmem>>
    %dma_wait3A_303 = tpu.memref_squeeze %dma_wait3A_302 : memref<1x50xi32, #tpu.memory_space<vmem>> -> memref<50xi32, #tpu.memory_space<vmem>>
    %dma_wait3A_304 = arith.constant 0 : i32
    %dma_wait3A_305 = arith.constant 0 : i32
    %dma_wait3A_306 = tpu.memref_slice %arg2[%dma_wait3A_304, %dma_wait3A_305] : memref<100000x128xf32, #tpu.memory_space<hbm>> -> memref<100000x128xf32, #tpu.memory_space<hbm>>
    tpu.wait_indirect_dma semaphore(%arg7 : memref<!tpu.dma_semaphore, #tpu.memory_space<semaphore_mem>>) src(%dma_wait3A_306 : memref<100000x128xf32, #tpu.memory_space<hbm>>) dst(%dma_wait3A_300 : memref<50x128xf32, #tpu.memory_space<vmem>>)
    %dma_wait3A_307 = arith.constant 6 : i32
    %dma_wait3A_308 = arith.constant 300 : i32
    %dma_wait3A_309 = arith.constant 0 : i32
    %dma_wait3A_310 = tpu.memref_slice %arg6[%dma_wait3A_308, %dma_wait3A_309] : memref<400x128xf32, #tpu.memory_space<vmem>> -> memref<50x128xf32, #tpu.memory_space<vmem>>
    %dma_wait3A_311 = arith.constant 0 : i32
    %dma_wait3A_312 = tpu.memref_slice %arg5[%dma_wait3A_307, %dma_wait3A_311] : memref<8x50xi32, #tpu.memory_space<vmem>> -> memref<1x50xi32, #tpu.memory_space<vmem>>
    %dma_wait3A_313 = tpu.memref_squeeze %dma_wait3A_312 : memref<1x50xi32, #tpu.memory_space<vmem>> -> memref<50xi32, #tpu.memory_space<vmem>>
    %dma_wait3A_314 = arith.constant 0 : i32
    %dma_wait3A_315 = arith.constant 0 : i32
    %dma_wait3A_316 = tpu.memref_slice %arg2[%dma_wait3A_314, %dma_wait3A_315] : memref<100000x128xf32, #tpu.memory_space<hbm>> -> memref<100000x128xf32, #tpu.memory_space<hbm>>
    tpu.wait_indirect_dma semaphore(%arg7 : memref<!tpu.dma_semaphore, #tpu.memory_space<semaphore_mem>>) src(%dma_wait3A_316 : memref<100000x128xf32, #tpu.memory_space<hbm>>) dst(%dma_wait3A_310 : memref<50x128xf32, #tpu.memory_space<vmem>>)
    %dma_wait3A_317 = arith.constant 7 : i32
    %dma_wait3A_318 = arith.constant 350 : i32
    %dma_wait3A_319 = arith.constant 0 : i32
    %dma_wait3A_320 = tpu.memref_slice %arg6[%dma_wait3A_318, %dma_wait3A_319] : memref<400x128xf32, #tpu.memory_space<vmem>> -> memref<50x128xf32, #tpu.memory_space<vmem>>
    %dma_wait3A_321 = arith.constant 0 : i32
    %dma_wait3A_322 = tpu.memref_slice %arg5[%dma_wait3A_317, %dma_wait3A_321] : memref<8x50xi32, #tpu.memory_space<vmem>> -> memref<1x50xi32, #tpu.memory_space<vmem>>
    %dma_wait3A_323 = tpu.memref_squeeze %dma_wait3A_322 : memref<1x50xi32, #tpu.memory_space<vmem>> -> memref<50xi32, #tpu.memory_space<vmem>>
    %dma_wait3A_324 = arith.constant 0 : i32
    %dma_wait3A_325 = arith.constant 0 : i32
    %dma_wait3A_326 = tpu.memref_slice %arg2[%dma_wait3A_324, %dma_wait3A_325] : memref<100000x128xf32, #tpu.memory_space<hbm>> -> memref<100000x128xf32, #tpu.memory_space<hbm>>
    tpu.wait_indirect_dma semaphore(%arg7 : memref<!tpu.dma_semaphore, #tpu.memory_space<semaphore_mem>>) src(%dma_wait3A_326 : memref<100000x128xf32, #tpu.memory_space<hbm>>) dst(%dma_wait3A_320 : memref<50x128xf32, #tpu.memory_space<vmem>>)
    %mul3A_327 = arith.constant 50 : i32
    %mul3A_328 = arith.muli %add3A_166, %mul3A_327 : i32
    "tpu.region"() ({
      %run_scoped3A = tpu.sem_alloc : memref<!tpu.dma_semaphore, #tpu.memory_space<semaphore_mem>>
      %dma_start3A_657 = arith.constant 0 : i32
      %dma_start3A_658 = tpu.memref_slice %arg4[%mul3A_328, %dma_start3A_657] : memref<51200x128xf32, #tpu.memory_space<hbm>> -> memref<400x128xf32, #tpu.memory_space<hbm>>
      %dma_start3A_659 = arith.constant 0 : i32
      %dma_start3A_660 = tpu.memref_slice %arg4[%mul3A_328, %dma_start3A_659] : memref<51200x128xf32, #tpu.memory_space<hbm>> -> memref<400x128xf32, #tpu.memory_space<hbm>>
      tpu.enqueue_dma source(%arg6 : memref<400x128xf32, #tpu.memory_space<vmem>>) target(%dma_start3A_660 : memref<400x128xf32, #tpu.memory_space<hbm>>) target_semaphore(%run_scoped3A : memref<!tpu.dma_semaphore, #tpu.memory_space<semaphore_mem>>)
      %dma_wait3A_661 = arith.constant 0 : i32
      %dma_wait3A_662 = tpu.memref_slice %arg4[%mul3A_328, %dma_wait3A_661] : memref<51200x128xf32, #tpu.memory_space<hbm>> -> memref<400x128xf32, #tpu.memory_space<hbm>>
      %dma_wait3A_663 = arith.constant 0 : i32
      %dma_wait3A_664 = tpu.memref_slice %arg4[%mul3A_328, %dma_wait3A_663] : memref<51200x128xf32, #tpu.memory_space<hbm>> -> memref<400x128xf32, #tpu.memory_space<hbm>>
      tpu.wait_dma2 semaphore(%run_scoped3A : memref<!tpu.dma_semaphore, #tpu.memory_space<semaphore_mem>>) src(%arg6 : memref<400x128xf32, #tpu.memory_space<vmem>>) dst(%dma_wait3A_664 : memref<400x128xf32, #tpu.memory_space<hbm>>)
      tpu.yield
    }) : () -> ()
    %add3A_329 = arith.constant 16 : i32
    %add3A_330 = arith.addi %mul3A_2, %add3A_329 : i32
    "tpu.region"() ({
      %run_scoped3A = tpu.sem_alloc : memref<!tpu.dma_semaphore, #tpu.memory_space<semaphore_mem>>
      %dma_start3A_657 = arith.constant 0 : i32
      %dma_start3A_658 = tpu.memref_slice %arg3[%add3A_330, %dma_start3A_657] : memref<1024x50xi32, #tpu.memory_space<hbm>> -> memref<8x50xi32, #tpu.memory_space<hbm>>
      %dma_start3A_659 = arith.constant 0 : i32
      %dma_start3A_660 = tpu.memref_slice %arg3[%add3A_330, %dma_start3A_659] : memref<1024x50xi32, #tpu.memory_space<hbm>> -> memref<8x50xi32, #tpu.memory_space<hbm>>
      tpu.enqueue_dma source(%dma_start3A_660 : memref<8x50xi32, #tpu.memory_space<hbm>>) target(%arg5 : memref<8x50xi32, #tpu.memory_space<vmem>>) target_semaphore(%run_scoped3A : memref<!tpu.dma_semaphore, #tpu.memory_space<semaphore_mem>>)
      %dma_wait3A_661 = arith.constant 0 : i32
      %dma_wait3A_662 = tpu.memref_slice %arg3[%add3A_330, %dma_wait3A_661] : memref<1024x50xi32, #tpu.memory_space<hbm>> -> memref<8x50xi32, #tpu.memory_space<hbm>>
      %dma_wait3A_663 = arith.constant 0 : i32
      %dma_wait3A_664 = tpu.memref_slice %arg3[%add3A_330, %dma_wait3A_663] : memref<1024x50xi32, #tpu.memory_space<hbm>> -> memref<8x50xi32, #tpu.memory_space<hbm>>
      tpu.wait_dma2 semaphore(%run_scoped3A : memref<!tpu.dma_semaphore, #tpu.memory_space<semaphore_mem>>) src(%dma_wait3A_664 : memref<8x50xi32, #tpu.memory_space<hbm>>) dst(%arg5 : memref<8x50xi32, #tpu.memory_space<vmem>>)
      tpu.yield
    }) : () -> ()
    %dma_start3A_331 = arith.constant 0 : i32
    %dma_start3A_332 = arith.constant 0 : i32
    %dma_start3A_333 = arith.constant 0 : i32
    %dma_start3A_334 = tpu.memref_slice %arg6[%dma_start3A_332, %dma_start3A_333] : memref<400x128xf32, #tpu.memory_space<vmem>> -> memref<50x128xf32, #tpu.memory_space<vmem>>
    %dma_start3A_335 = arith.constant 0 : i32
    %dma_start3A_336 = tpu.memref_slice %arg5[%dma_start3A_331, %dma_start3A_335] : memref<8x50xi32, #tpu.memory_space<vmem>> -> memref<1x50xi32, #tpu.memory_space<vmem>>
    %dma_start3A_337 = tpu.memref_squeeze %dma_start3A_336 : memref<1x50xi32, #tpu.memory_space<vmem>> -> memref<50xi32, #tpu.memory_space<vmem>>
    %dma_start3A_338 = arith.constant 0 : i32
    %dma_start3A_339 = arith.constant 0 : i32
    %dma_start3A_340 = tpu.memref_slice %arg2[%dma_start3A_338, %dma_start3A_339] : memref<100000x128xf32, #tpu.memory_space<hbm>> -> memref<100000x128xf32, #tpu.memory_space<hbm>>
    tpu.enqueue_indirect_dma source(%dma_start3A_340 : memref<100000x128xf32, #tpu.memory_space<hbm>>) target(%dma_start3A_334 : memref<50x128xf32, #tpu.memory_space<vmem>>) offsets(%dma_start3A_337 : memref<50xi32, #tpu.memory_space<vmem>>) semaphore(%arg7 : memref<!tpu.dma_semaphore, #tpu.memory_space<semaphore_mem>>)
    %dma_start3A_341 = arith.constant 1 : i32
    %dma_start3A_342 = arith.constant 50 : i32
    %dma_start3A_343 = arith.constant 0 : i32
    %dma_start3A_344 = tpu.memref_slice %arg6[%dma_start3A_342, %dma_start3A_343] : memref<400x128xf32, #tpu.memory_space<vmem>> -> memref<50x128xf32, #tpu.memory_space<vmem>>
    %dma_start3A_345 = arith.constant 0 : i32
    %dma_start3A_346 = tpu.memref_slice %arg5[%dma_start3A_341, %dma_start3A_345] : memref<8x50xi32, #tpu.memory_space<vmem>> -> memref<1x50xi32, #tpu.memory_space<vmem>>
    %dma_start3A_347 = tpu.memref_squeeze %dma_start3A_346 : memref<1x50xi32, #tpu.memory_space<vmem>> -> memref<50xi32, #tpu.memory_space<vmem>>
    %dma_start3A_348 = arith.constant 0 : i32
    %dma_start3A_349 = arith.constant 0 : i32
    %dma_start3A_350 = tpu.memref_slice %arg2[%dma_start3A_348, %dma_start3A_349] : memref<100000x128xf32, #tpu.memory_space<hbm>> -> memref<100000x128xf32, #tpu.memory_space<hbm>>
    tpu.enqueue_indirect_dma source(%dma_start3A_350 : memref<100000x128xf32, #tpu.memory_space<hbm>>) target(%dma_start3A_344 : memref<50x128xf32, #tpu.memory_space<vmem>>) offsets(%dma_start3A_347 : memref<50xi32, #tpu.memory_space<vmem>>) semaphore(%arg7 : memref<!tpu.dma_semaphore, #tpu.memory_space<semaphore_mem>>)
    %dma_start3A_351 = arith.constant 2 : i32
    %dma_start3A_352 = arith.constant 100 : i32
    %dma_start3A_353 = arith.constant 0 : i32
    %dma_start3A_354 = tpu.memref_slice %arg6[%dma_start3A_352, %dma_start3A_353] : memref<400x128xf32, #tpu.memory_space<vmem>> -> memref<50x128xf32, #tpu.memory_space<vmem>>
    %dma_start3A_355 = arith.constant 0 : i32
    %dma_start3A_356 = tpu.memref_slice %arg5[%dma_start3A_351, %dma_start3A_355] : memref<8x50xi32, #tpu.memory_space<vmem>> -> memref<1x50xi32, #tpu.memory_space<vmem>>
    %dma_start3A_357 = tpu.memref_squeeze %dma_start3A_356 : memref<1x50xi32, #tpu.memory_space<vmem>> -> memref<50xi32, #tpu.memory_space<vmem>>
    %dma_start3A_358 = arith.constant 0 : i32
    %dma_start3A_359 = arith.constant 0 : i32
    %dma_start3A_360 = tpu.memref_slice %arg2[%dma_start3A_358, %dma_start3A_359] : memref<100000x128xf32, #tpu.memory_space<hbm>> -> memref<100000x128xf32, #tpu.memory_space<hbm>>
    tpu.enqueue_indirect_dma source(%dma_start3A_360 : memref<100000x128xf32, #tpu.memory_space<hbm>>) target(%dma_start3A_354 : memref<50x128xf32, #tpu.memory_space<vmem>>) offsets(%dma_start3A_357 : memref<50xi32, #tpu.memory_space<vmem>>) semaphore(%arg7 : memref<!tpu.dma_semaphore, #tpu.memory_space<semaphore_mem>>)
    %dma_start3A_361 = arith.constant 3 : i32
    %dma_start3A_362 = arith.constant 150 : i32
    %dma_start3A_363 = arith.constant 0 : i32
    %dma_start3A_364 = tpu.memref_slice %arg6[%dma_start3A_362, %dma_start3A_363] : memref<400x128xf32, #tpu.memory_space<vmem>> -> memref<50x128xf32, #tpu.memory_space<vmem>>
    %dma_start3A_365 = arith.constant 0 : i32
    %dma_start3A_366 = tpu.memref_slice %arg5[%dma_start3A_361, %dma_start3A_365] : memref<8x50xi32, #tpu.memory_space<vmem>> -> memref<1x50xi32, #tpu.memory_space<vmem>>
    %dma_start3A_367 = tpu.memref_squeeze %dma_start3A_366 : memref<1x50xi32, #tpu.memory_space<vmem>> -> memref<50xi32, #tpu.memory_space<vmem>>
    %dma_start3A_368 = arith.constant 0 : i32
    %dma_start3A_369 = arith.constant 0 : i32
    %dma_start3A_370 = tpu.memref_slice %arg2[%dma_start3A_368, %dma_start3A_369] : memref<100000x128xf32, #tpu.memory_space<hbm>> -> memref<100000x128xf32, #tpu.memory_space<hbm>>
    tpu.enqueue_indirect_dma source(%dma_start3A_370 : memref<100000x128xf32, #tpu.memory_space<hbm>>) target(%dma_start3A_364 : memref<50x128xf32, #tpu.memory_space<vmem>>) offsets(%dma_start3A_367 : memref<50xi32, #tpu.memory_space<vmem>>) semaphore(%arg7 : memref<!tpu.dma_semaphore, #tpu.memory_space<semaphore_mem>>)
    %dma_start3A_371 = arith.constant 4 : i32
    %dma_start3A_372 = arith.constant 200 : i32
    %dma_start3A_373 = arith.constant 0 : i32
    %dma_start3A_374 = tpu.memref_slice %arg6[%dma_start3A_372, %dma_start3A_373] : memref<400x128xf32, #tpu.memory_space<vmem>> -> memref<50x128xf32, #tpu.memory_space<vmem>>
    %dma_start3A_375 = arith.constant 0 : i32
    %dma_start3A_376 = tpu.memref_slice %arg5[%dma_start3A_371, %dma_start3A_375] : memref<8x50xi32, #tpu.memory_space<vmem>> -> memref<1x50xi32, #tpu.memory_space<vmem>>
    %dma_start3A_377 = tpu.memref_squeeze %dma_start3A_376 : memref<1x50xi32, #tpu.memory_space<vmem>> -> memref<50xi32, #tpu.memory_space<vmem>>
    %dma_start3A_378 = arith.constant 0 : i32
    %dma_start3A_379 = arith.constant 0 : i32
    %dma_start3A_380 = tpu.memref_slice %arg2[%dma_start3A_378, %dma_start3A_379] : memref<100000x128xf32, #tpu.memory_space<hbm>> -> memref<100000x128xf32, #tpu.memory_space<hbm>>
    tpu.enqueue_indirect_dma source(%dma_start3A_380 : memref<100000x128xf32, #tpu.memory_space<hbm>>) target(%dma_start3A_374 : memref<50x128xf32, #tpu.memory_space<vmem>>) offsets(%dma_start3A_377 : memref<50xi32, #tpu.memory_space<vmem>>) semaphore(%arg7 : memref<!tpu.dma_semaphore, #tpu.memory_space<semaphore_mem>>)
    %dma_start3A_381 = arith.constant 5 : i32
    %dma_start3A_382 = arith.constant 250 : i32
    %dma_start3A_383 = arith.constant 0 : i32
    %dma_start3A_384 = tpu.memref_slice %arg6[%dma_start3A_382, %dma_start3A_383] : memref<400x128xf32, #tpu.memory_space<vmem>> -> memref<50x128xf32, #tpu.memory_space<vmem>>
    %dma_start3A_385 = arith.constant 0 : i32
    %dma_start3A_386 = tpu.memref_slice %arg5[%dma_start3A_381, %dma_start3A_385] : memref<8x50xi32, #tpu.memory_space<vmem>> -> memref<1x50xi32, #tpu.memory_space<vmem>>
    %dma_start3A_387 = tpu.memref_squeeze %dma_start3A_386 : memref<1x50xi32, #tpu.memory_space<vmem>> -> memref<50xi32, #tpu.memory_space<vmem>>
    %dma_start3A_388 = arith.constant 0 : i32
    %dma_start3A_389 = arith.constant 0 : i32
    %dma_start3A_390 = tpu.memref_slice %arg2[%dma_start3A_388, %dma_start3A_389] : memref<100000x128xf32, #tpu.memory_space<hbm>> -> memref<100000x128xf32, #tpu.memory_space<hbm>>
    tpu.enqueue_indirect_dma source(%dma_start3A_390 : memref<100000x128xf32, #tpu.memory_space<hbm>>) target(%dma_start3A_384 : memref<50x128xf32, #tpu.memory_space<vmem>>) offsets(%dma_start3A_387 : memref<50xi32, #tpu.memory_space<vmem>>) semaphore(%arg7 : memref<!tpu.dma_semaphore, #tpu.memory_space<semaphore_mem>>)
    %dma_start3A_391 = arith.constant 6 : i32
    %dma_start3A_392 = arith.constant 300 : i32
    %dma_start3A_393 = arith.constant 0 : i32
    %dma_start3A_394 = tpu.memref_slice %arg6[%dma_start3A_392, %dma_start3A_393] : memref<400x128xf32, #tpu.memory_space<vmem>> -> memref<50x128xf32, #tpu.memory_space<vmem>>
    %dma_start3A_395 = arith.constant 0 : i32
    %dma_start3A_396 = tpu.memref_slice %arg5[%dma_start3A_391, %dma_start3A_395] : memref<8x50xi32, #tpu.memory_space<vmem>> -> memref<1x50xi32, #tpu.memory_space<vmem>>
    %dma_start3A_397 = tpu.memref_squeeze %dma_start3A_396 : memref<1x50xi32, #tpu.memory_space<vmem>> -> memref<50xi32, #tpu.memory_space<vmem>>
    %dma_start3A_398 = arith.constant 0 : i32
    %dma_start3A_399 = arith.constant 0 : i32
    %dma_start3A_400 = tpu.memref_slice %arg2[%dma_start3A_398, %dma_start3A_399] : memref<100000x128xf32, #tpu.memory_space<hbm>> -> memref<100000x128xf32, #tpu.memory_space<hbm>>
    tpu.enqueue_indirect_dma source(%dma_start3A_400 : memref<100000x128xf32, #tpu.memory_space<hbm>>) target(%dma_start3A_394 : memref<50x128xf32, #tpu.memory_space<vmem>>) offsets(%dma_start3A_397 : memref<50xi32, #tpu.memory_space<vmem>>) semaphore(%arg7 : memref<!tpu.dma_semaphore, #tpu.memory_space<semaphore_mem>>)
    %dma_start3A_401 = arith.constant 7 : i32
    %dma_start3A_402 = arith.constant 350 : i32
    %dma_start3A_403 = arith.constant 0 : i32
    %dma_start3A_404 = tpu.memref_slice %arg6[%dma_start3A_402, %dma_start3A_403] : memref<400x128xf32, #tpu.memory_space<vmem>> -> memref<50x128xf32, #tpu.memory_space<vmem>>
    %dma_start3A_405 = arith.constant 0 : i32
    %dma_start3A_406 = tpu.memref_slice %arg5[%dma_start3A_401, %dma_start3A_405] : memref<8x50xi32, #tpu.memory_space<vmem>> -> memref<1x50xi32, #tpu.memory_space<vmem>>
    %dma_start3A_407 = tpu.memref_squeeze %dma_start3A_406 : memref<1x50xi32, #tpu.memory_space<vmem>> -> memref<50xi32, #tpu.memory_space<vmem>>
    %dma_start3A_408 = arith.constant 0 : i32
    %dma_start3A_409 = arith.constant 0 : i32
    %dma_start3A_410 = tpu.memref_slice %arg2[%dma_start3A_408, %dma_start3A_409] : memref<100000x128xf32, #tpu.memory_space<hbm>> -> memref<100000x128xf32, #tpu.memory_space<hbm>>
    tpu.enqueue_indirect_dma source(%dma_start3A_410 : memref<100000x128xf32, #tpu.memory_space<hbm>>) target(%dma_start3A_404 : memref<50x128xf32, #tpu.memory_space<vmem>>) offsets(%dma_start3A_407 : memref<50xi32, #tpu.memory_space<vmem>>) semaphore(%arg7 : memref<!tpu.dma_semaphore, #tpu.memory_space<semaphore_mem>>)
    %dma_wait3A_411 = arith.constant 0 : i32
    %dma_wait3A_412 = arith.constant 0 : i32
    %dma_wait3A_413 = arith.constant 0 : i32
    %dma_wait3A_414 = tpu.memref_slice %arg6[%dma_wait3A_412, %dma_wait3A_413] : memref<400x128xf32, #tpu.memory_space<vmem>> -> memref<50x128xf32, #tpu.memory_space<vmem>>
    %dma_wait3A_415 = arith.constant 0 : i32
    %dma_wait3A_416 = tpu.memref_slice %arg5[%dma_wait3A_411, %dma_wait3A_415] : memref<8x50xi32, #tpu.memory_space<vmem>> -> memref<1x50xi32, #tpu.memory_space<vmem>>
    %dma_wait3A_417 = tpu.memref_squeeze %dma_wait3A_416 : memref<1x50xi32, #tpu.memory_space<vmem>> -> memref<50xi32, #tpu.memory_space<vmem>>
    %dma_wait3A_418 = arith.constant 0 : i32
    %dma_wait3A_419 = arith.constant 0 : i32
    %dma_wait3A_420 = tpu.memref_slice %arg2[%dma_wait3A_418, %dma_wait3A_419] : memref<100000x128xf32, #tpu.memory_space<hbm>> -> memref<100000x128xf32, #tpu.memory_space<hbm>>
    tpu.wait_indirect_dma semaphore(%arg7 : memref<!tpu.dma_semaphore, #tpu.memory_space<semaphore_mem>>) src(%dma_wait3A_420 : memref<100000x128xf32, #tpu.memory_space<hbm>>) dst(%dma_wait3A_414 : memref<50x128xf32, #tpu.memory_space<vmem>>)
    %dma_wait3A_421 = arith.constant 1 : i32
    %dma_wait3A_422 = arith.constant 50 : i32
    %dma_wait3A_423 = arith.constant 0 : i32
    %dma_wait3A_424 = tpu.memref_slice %arg6[%dma_wait3A_422, %dma_wait3A_423] : memref<400x128xf32, #tpu.memory_space<vmem>> -> memref<50x128xf32, #tpu.memory_space<vmem>>
    %dma_wait3A_425 = arith.constant 0 : i32
    %dma_wait3A_426 = tpu.memref_slice %arg5[%dma_wait3A_421, %dma_wait3A_425] : memref<8x50xi32, #tpu.memory_space<vmem>> -> memref<1x50xi32, #tpu.memory_space<vmem>>
    %dma_wait3A_427 = tpu.memref_squeeze %dma_wait3A_426 : memref<1x50xi32, #tpu.memory_space<vmem>> -> memref<50xi32, #tpu.memory_space<vmem>>
    %dma_wait3A_428 = arith.constant 0 : i32
    %dma_wait3A_429 = arith.constant 0 : i32
    %dma_wait3A_430 = tpu.memref_slice %arg2[%dma_wait3A_428, %dma_wait3A_429] : memref<100000x128xf32, #tpu.memory_space<hbm>> -> memref<100000x128xf32, #tpu.memory_space<hbm>>
    tpu.wait_indirect_dma semaphore(%arg7 : memref<!tpu.dma_semaphore, #tpu.memory_space<semaphore_mem>>) src(%dma_wait3A_430 : memref<100000x128xf32, #tpu.memory_space<hbm>>) dst(%dma_wait3A_424 : memref<50x128xf32, #tpu.memory_space<vmem>>)
    %dma_wait3A_431 = arith.constant 2 : i32
    %dma_wait3A_432 = arith.constant 100 : i32
    %dma_wait3A_433 = arith.constant 0 : i32
    %dma_wait3A_434 = tpu.memref_slice %arg6[%dma_wait3A_432, %dma_wait3A_433] : memref<400x128xf32, #tpu.memory_space<vmem>> -> memref<50x128xf32, #tpu.memory_space<vmem>>
    %dma_wait3A_435 = arith.constant 0 : i32
    %dma_wait3A_436 = tpu.memref_slice %arg5[%dma_wait3A_431, %dma_wait3A_435] : memref<8x50xi32, #tpu.memory_space<vmem>> -> memref<1x50xi32, #tpu.memory_space<vmem>>
    %dma_wait3A_437 = tpu.memref_squeeze %dma_wait3A_436 : memref<1x50xi32, #tpu.memory_space<vmem>> -> memref<50xi32, #tpu.memory_space<vmem>>
    %dma_wait3A_438 = arith.constant 0 : i32
    %dma_wait3A_439 = arith.constant 0 : i32
    %dma_wait3A_440 = tpu.memref_slice %arg2[%dma_wait3A_438, %dma_wait3A_439] : memref<100000x128xf32, #tpu.memory_space<hbm>> -> memref<100000x128xf32, #tpu.memory_space<hbm>>
    tpu.wait_indirect_dma semaphore(%arg7 : memref<!tpu.dma_semaphore, #tpu.memory_space<semaphore_mem>>) src(%dma_wait3A_440 : memref<100000x128xf32, #tpu.memory_space<hbm>>) dst(%dma_wait3A_434 : memref<50x128xf32, #tpu.memory_space<vmem>>)
    %dma_wait3A_441 = arith.constant 3 : i32
    %dma_wait3A_442 = arith.constant 150 : i32
    %dma_wait3A_443 = arith.constant 0 : i32
    %dma_wait3A_444 = tpu.memref_slice %arg6[%dma_wait3A_442, %dma_wait3A_443] : memref<400x128xf32, #tpu.memory_space<vmem>> -> memref<50x128xf32, #tpu.memory_space<vmem>>
    %dma_wait3A_445 = arith.constant 0 : i32
    %dma_wait3A_446 = tpu.memref_slice %arg5[%dma_wait3A_441, %dma_wait3A_445] : memref<8x50xi32, #tpu.memory_space<vmem>> -> memref<1x50xi32, #tpu.memory_space<vmem>>
    %dma_wait3A_447 = tpu.memref_squeeze %dma_wait3A_446 : memref<1x50xi32, #tpu.memory_space<vmem>> -> memref<50xi32, #tpu.memory_space<vmem>>
    %dma_wait3A_448 = arith.constant 0 : i32
    %dma_wait3A_449 = arith.constant 0 : i32
    %dma_wait3A_450 = tpu.memref_slice %arg2[%dma_wait3A_448, %dma_wait3A_449] : memref<100000x128xf32, #tpu.memory_space<hbm>> -> memref<100000x128xf32, #tpu.memory_space<hbm>>
    tpu.wait_indirect_dma semaphore(%arg7 : memref<!tpu.dma_semaphore, #tpu.memory_space<semaphore_mem>>) src(%dma_wait3A_450 : memref<100000x128xf32, #tpu.memory_space<hbm>>) dst(%dma_wait3A_444 : memref<50x128xf32, #tpu.memory_space<vmem>>)
    %dma_wait3A_451 = arith.constant 4 : i32
    %dma_wait3A_452 = arith.constant 200 : i32
    %dma_wait3A_453 = arith.constant 0 : i32
    %dma_wait3A_454 = tpu.memref_slice %arg6[%dma_wait3A_452, %dma_wait3A_453] : memref<400x128xf32, #tpu.memory_space<vmem>> -> memref<50x128xf32, #tpu.memory_space<vmem>>
    %dma_wait3A_455 = arith.constant 0 : i32
    %dma_wait3A_456 = tpu.memref_slice %arg5[%dma_wait3A_451, %dma_wait3A_455] : memref<8x50xi32, #tpu.memory_space<vmem>> -> memref<1x50xi32, #tpu.memory_space<vmem>>
    %dma_wait3A_457 = tpu.memref_squeeze %dma_wait3A_456 : memref<1x50xi32, #tpu.memory_space<vmem>> -> memref<50xi32, #tpu.memory_space<vmem>>
    %dma_wait3A_458 = arith.constant 0 : i32
    %dma_wait3A_459 = arith.constant 0 : i32
    %dma_wait3A_460 = tpu.memref_slice %arg2[%dma_wait3A_458, %dma_wait3A_459] : memref<100000x128xf32, #tpu.memory_space<hbm>> -> memref<100000x128xf32, #tpu.memory_space<hbm>>
    tpu.wait_indirect_dma semaphore(%arg7 : memref<!tpu.dma_semaphore, #tpu.memory_space<semaphore_mem>>) src(%dma_wait3A_460 : memref<100000x128xf32, #tpu.memory_space<hbm>>) dst(%dma_wait3A_454 : memref<50x128xf32, #tpu.memory_space<vmem>>)
    %dma_wait3A_461 = arith.constant 5 : i32
    %dma_wait3A_462 = arith.constant 250 : i32
    %dma_wait3A_463 = arith.constant 0 : i32
    %dma_wait3A_464 = tpu.memref_slice %arg6[%dma_wait3A_462, %dma_wait3A_463] : memref<400x128xf32, #tpu.memory_space<vmem>> -> memref<50x128xf32, #tpu.memory_space<vmem>>
    %dma_wait3A_465 = arith.constant 0 : i32
    %dma_wait3A_466 = tpu.memref_slice %arg5[%dma_wait3A_461, %dma_wait3A_465] : memref<8x50xi32, #tpu.memory_space<vmem>> -> memref<1x50xi32, #tpu.memory_space<vmem>>
    %dma_wait3A_467 = tpu.memref_squeeze %dma_wait3A_466 : memref<1x50xi32, #tpu.memory_space<vmem>> -> memref<50xi32, #tpu.memory_space<vmem>>
    %dma_wait3A_468 = arith.constant 0 : i32
    %dma_wait3A_469 = arith.constant 0 : i32
    %dma_wait3A_470 = tpu.memref_slice %arg2[%dma_wait3A_468, %dma_wait3A_469] : memref<100000x128xf32, #tpu.memory_space<hbm>> -> memref<100000x128xf32, #tpu.memory_space<hbm>>
    tpu.wait_indirect_dma semaphore(%arg7 : memref<!tpu.dma_semaphore, #tpu.memory_space<semaphore_mem>>) src(%dma_wait3A_470 : memref<100000x128xf32, #tpu.memory_space<hbm>>) dst(%dma_wait3A_464 : memref<50x128xf32, #tpu.memory_space<vmem>>)
    %dma_wait3A_471 = arith.constant 6 : i32
    %dma_wait3A_472 = arith.constant 300 : i32
    %dma_wait3A_473 = arith.constant 0 : i32
    %dma_wait3A_474 = tpu.memref_slice %arg6[%dma_wait3A_472, %dma_wait3A_473] : memref<400x128xf32, #tpu.memory_space<vmem>> -> memref<50x128xf32, #tpu.memory_space<vmem>>
    %dma_wait3A_475 = arith.constant 0 : i32
    %dma_wait3A_476 = tpu.memref_slice %arg5[%dma_wait3A_471, %dma_wait3A_475] : memref<8x50xi32, #tpu.memory_space<vmem>> -> memref<1x50xi32, #tpu.memory_space<vmem>>
    %dma_wait3A_477 = tpu.memref_squeeze %dma_wait3A_476 : memref<1x50xi32, #tpu.memory_space<vmem>> -> memref<50xi32, #tpu.memory_space<vmem>>
    %dma_wait3A_478 = arith.constant 0 : i32
    %dma_wait3A_479 = arith.constant 0 : i32
    %dma_wait3A_480 = tpu.memref_slice %arg2[%dma_wait3A_478, %dma_wait3A_479] : memref<100000x128xf32, #tpu.memory_space<hbm>> -> memref<100000x128xf32, #tpu.memory_space<hbm>>
    tpu.wait_indirect_dma semaphore(%arg7 : memref<!tpu.dma_semaphore, #tpu.memory_space<semaphore_mem>>) src(%dma_wait3A_480 : memref<100000x128xf32, #tpu.memory_space<hbm>>) dst(%dma_wait3A_474 : memref<50x128xf32, #tpu.memory_space<vmem>>)
    %dma_wait3A_481 = arith.constant 7 : i32
    %dma_wait3A_482 = arith.constant 350 : i32
    %dma_wait3A_483 = arith.constant 0 : i32
    %dma_wait3A_484 = tpu.memref_slice %arg6[%dma_wait3A_482, %dma_wait3A_483] : memref<400x128xf32, #tpu.memory_space<vmem>> -> memref<50x128xf32, #tpu.memory_space<vmem>>
    %dma_wait3A_485 = arith.constant 0 : i32
    %dma_wait3A_486 = tpu.memref_slice %arg5[%dma_wait3A_481, %dma_wait3A_485] : memref<8x50xi32, #tpu.memory_space<vmem>> -> memref<1x50xi32, #tpu.memory_space<vmem>>
    %dma_wait3A_487 = tpu.memref_squeeze %dma_wait3A_486 : memref<1x50xi32, #tpu.memory_space<vmem>> -> memref<50xi32, #tpu.memory_space<vmem>>
    %dma_wait3A_488 = arith.constant 0 : i32
    %dma_wait3A_489 = arith.constant 0 : i32
    %dma_wait3A_490 = tpu.memref_slice %arg2[%dma_wait3A_488, %dma_wait3A_489] : memref<100000x128xf32, #tpu.memory_space<hbm>> -> memref<100000x128xf32, #tpu.memory_space<hbm>>
    tpu.wait_indirect_dma semaphore(%arg7 : memref<!tpu.dma_semaphore, #tpu.memory_space<semaphore_mem>>) src(%dma_wait3A_490 : memref<100000x128xf32, #tpu.memory_space<hbm>>) dst(%dma_wait3A_484 : memref<50x128xf32, #tpu.memory_space<vmem>>)
    %mul3A_491 = arith.constant 50 : i32
    %mul3A_492 = arith.muli %add3A_330, %mul3A_491 : i32
    "tpu.region"() ({
      %run_scoped3A = tpu.sem_alloc : memref<!tpu.dma_semaphore, #tpu.memory_space<semaphore_mem>>
      %dma_start3A_657 = arith.constant 0 : i32
      %dma_start3A_658 = tpu.memref_slice %arg4[%mul3A_492, %dma_start3A_657] : memref<51200x128xf32, #tpu.memory_space<hbm>> -> memref<400x128xf32, #tpu.memory_space<hbm>>
      %dma_start3A_659 = arith.constant 0 : i32
      %dma_start3A_660 = tpu.memref_slice %arg4[%mul3A_492, %dma_start3A_659] : memref<51200x128xf32, #tpu.memory_space<hbm>> -> memref<400x128xf32, #tpu.memory_space<hbm>>
      tpu.enqueue_dma source(%arg6 : memref<400x128xf32, #tpu.memory_space<vmem>>) target(%dma_start3A_660 : memref<400x128xf32, #tpu.memory_space<hbm>>) target_semaphore(%run_scoped3A : memref<!tpu.dma_semaphore, #tpu.memory_space<semaphore_mem>>)
      %dma_wait3A_661 = arith.constant 0 : i32
      %dma_wait3A_662 = tpu.memref_slice %arg4[%mul3A_492, %dma_wait3A_661] : memref<51200x128xf32, #tpu.memory_space<hbm>> -> memref<400x128xf32, #tpu.memory_space<hbm>>
      %dma_wait3A_663 = arith.constant 0 : i32
      %dma_wait3A_664 = tpu.memref_slice %arg4[%mul3A_492, %dma_wait3A_663] : memref<51200x128xf32, #tpu.memory_space<hbm>> -> memref<400x128xf32, #tpu.memory_space<hbm>>
      tpu.wait_dma2 semaphore(%run_scoped3A : memref<!tpu.dma_semaphore, #tpu.memory_space<semaphore_mem>>) src(%arg6 : memref<400x128xf32, #tpu.memory_space<vmem>>) dst(%dma_wait3A_664 : memref<400x128xf32, #tpu.memory_space<hbm>>)
      tpu.yield
    }) : () -> ()
    %add3A_493 = arith.constant 24 : i32
    %add3A_494 = arith.addi %mul3A_2, %add3A_493 : i32
    "tpu.region"() ({
      %run_scoped3A = tpu.sem_alloc : memref<!tpu.dma_semaphore, #tpu.memory_space<semaphore_mem>>
      %dma_start3A_657 = arith.constant 0 : i32
      %dma_start3A_658 = tpu.memref_slice %arg3[%add3A_494, %dma_start3A_657] : memref<1024x50xi32, #tpu.memory_space<hbm>> -> memref<8x50xi32, #tpu.memory_space<hbm>>
      %dma_start3A_659 = arith.constant 0 : i32
      %dma_start3A_660 = tpu.memref_slice %arg3[%add3A_494, %dma_start3A_659] : memref<1024x50xi32, #tpu.memory_space<hbm>> -> memref<8x50xi32, #tpu.memory_space<hbm>>
      tpu.enqueue_dma source(%dma_start3A_660 : memref<8x50xi32, #tpu.memory_space<hbm>>) target(%arg5 : memref<8x50xi32, #tpu.memory_space<vmem>>) target_semaphore(%run_scoped3A : memref<!tpu.dma_semaphore, #tpu.memory_space<semaphore_mem>>)
      %dma_wait3A_661 = arith.constant 0 : i32
      %dma_wait3A_662 = tpu.memref_slice %arg3[%add3A_494, %dma_wait3A_661] : memref<1024x50xi32, #tpu.memory_space<hbm>> -> memref<8x50xi32, #tpu.memory_space<hbm>>
      %dma_wait3A_663 = arith.constant 0 : i32
      %dma_wait3A_664 = tpu.memref_slice %arg3[%add3A_494, %dma_wait3A_663] : memref<1024x50xi32, #tpu.memory_space<hbm>> -> memref<8x50xi32, #tpu.memory_space<hbm>>
      tpu.wait_dma2 semaphore(%run_scoped3A : memref<!tpu.dma_semaphore, #tpu.memory_space<semaphore_mem>>) src(%dma_wait3A_664 : memref<8x50xi32, #tpu.memory_space<hbm>>) dst(%arg5 : memref<8x50xi32, #tpu.memory_space<vmem>>)
      tpu.yield
    }) : () -> ()
    %dma_start3A_495 = arith.constant 0 : i32
    %dma_start3A_496 = arith.constant 0 : i32
    %dma_start3A_497 = arith.constant 0 : i32
    %dma_start3A_498 = tpu.memref_slice %arg6[%dma_start3A_496, %dma_start3A_497] : memref<400x128xf32, #tpu.memory_space<vmem>> -> memref<50x128xf32, #tpu.memory_space<vmem>>
    %dma_start3A_499 = arith.constant 0 : i32
    %dma_start3A_500 = tpu.memref_slice %arg5[%dma_start3A_495, %dma_start3A_499] : memref<8x50xi32, #tpu.memory_space<vmem>> -> memref<1x50xi32, #tpu.memory_space<vmem>>
    %dma_start3A_501 = tpu.memref_squeeze %dma_start3A_500 : memref<1x50xi32, #tpu.memory_space<vmem>> -> memref<50xi32, #tpu.memory_space<vmem>>
    %dma_start3A_502 = arith.constant 0 : i32
    %dma_start3A_503 = arith.constant 0 : i32
    %dma_start3A_504 = tpu.memref_slice %arg2[%dma_start3A_502, %dma_start3A_503] : memref<100000x128xf32, #tpu.memory_space<hbm>> -> memref<100000x128xf32, #tpu.memory_space<hbm>>
    tpu.enqueue_indirect_dma source(%dma_start3A_504 : memref<100000x128xf32, #tpu.memory_space<hbm>>) target(%dma_start3A_498 : memref<50x128xf32, #tpu.memory_space<vmem>>) offsets(%dma_start3A_501 : memref<50xi32, #tpu.memory_space<vmem>>) semaphore(%arg7 : memref<!tpu.dma_semaphore, #tpu.memory_space<semaphore_mem>>)
    %dma_start3A_505 = arith.constant 1 : i32
    %dma_start3A_506 = arith.constant 50 : i32
    %dma_start3A_507 = arith.constant 0 : i32
    %dma_start3A_508 = tpu.memref_slice %arg6[%dma_start3A_506, %dma_start3A_507] : memref<400x128xf32, #tpu.memory_space<vmem>> -> memref<50x128xf32, #tpu.memory_space<vmem>>
    %dma_start3A_509 = arith.constant 0 : i32
    %dma_start3A_510 = tpu.memref_slice %arg5[%dma_start3A_505, %dma_start3A_509] : memref<8x50xi32, #tpu.memory_space<vmem>> -> memref<1x50xi32, #tpu.memory_space<vmem>>
    %dma_start3A_511 = tpu.memref_squeeze %dma_start3A_510 : memref<1x50xi32, #tpu.memory_space<vmem>> -> memref<50xi32, #tpu.memory_space<vmem>>
    %dma_start3A_512 = arith.constant 0 : i32
    %dma_start3A_513 = arith.constant 0 : i32
    %dma_start3A_514 = tpu.memref_slice %arg2[%dma_start3A_512, %dma_start3A_513] : memref<100000x128xf32, #tpu.memory_space<hbm>> -> memref<100000x128xf32, #tpu.memory_space<hbm>>
    tpu.enqueue_indirect_dma source(%dma_start3A_514 : memref<100000x128xf32, #tpu.memory_space<hbm>>) target(%dma_start3A_508 : memref<50x128xf32, #tpu.memory_space<vmem>>) offsets(%dma_start3A_511 : memref<50xi32, #tpu.memory_space<vmem>>) semaphore(%arg7 : memref<!tpu.dma_semaphore, #tpu.memory_space<semaphore_mem>>)
    %dma_start3A_515 = arith.constant 2 : i32
    %dma_start3A_516 = arith.constant 100 : i32
    %dma_start3A_517 = arith.constant 0 : i32
    %dma_start3A_518 = tpu.memref_slice %arg6[%dma_start3A_516, %dma_start3A_517] : memref<400x128xf32, #tpu.memory_space<vmem>> -> memref<50x128xf32, #tpu.memory_space<vmem>>
    %dma_start3A_519 = arith.constant 0 : i32
    %dma_start3A_520 = tpu.memref_slice %arg5[%dma_start3A_515, %dma_start3A_519] : memref<8x50xi32, #tpu.memory_space<vmem>> -> memref<1x50xi32, #tpu.memory_space<vmem>>
    %dma_start3A_521 = tpu.memref_squeeze %dma_start3A_520 : memref<1x50xi32, #tpu.memory_space<vmem>> -> memref<50xi32, #tpu.memory_space<vmem>>
    %dma_start3A_522 = arith.constant 0 : i32
    %dma_start3A_523 = arith.constant 0 : i32
    %dma_start3A_524 = tpu.memref_slice %arg2[%dma_start3A_522, %dma_start3A_523] : memref<100000x128xf32, #tpu.memory_space<hbm>> -> memref<100000x128xf32, #tpu.memory_space<hbm>>
    tpu.enqueue_indirect_dma source(%dma_start3A_524 : memref<100000x128xf32, #tpu.memory_space<hbm>>) target(%dma_start3A_518 : memref<50x128xf32, #tpu.memory_space<vmem>>) offsets(%dma_start3A_521 : memref<50xi32, #tpu.memory_space<vmem>>) semaphore(%arg7 : memref<!tpu.dma_semaphore, #tpu.memory_space<semaphore_mem>>)
    %dma_start3A_525 = arith.constant 3 : i32
    %dma_start3A_526 = arith.constant 150 : i32
    %dma_start3A_527 = arith.constant 0 : i32
    %dma_start3A_528 = tpu.memref_slice %arg6[%dma_start3A_526, %dma_start3A_527] : memref<400x128xf32, #tpu.memory_space<vmem>> -> memref<50x128xf32, #tpu.memory_space<vmem>>
    %dma_start3A_529 = arith.constant 0 : i32
    %dma_start3A_530 = tpu.memref_slice %arg5[%dma_start3A_525, %dma_start3A_529] : memref<8x50xi32, #tpu.memory_space<vmem>> -> memref<1x50xi32, #tpu.memory_space<vmem>>
    %dma_start3A_531 = tpu.memref_squeeze %dma_start3A_530 : memref<1x50xi32, #tpu.memory_space<vmem>> -> memref<50xi32, #tpu.memory_space<vmem>>
    %dma_start3A_532 = arith.constant 0 : i32
    %dma_start3A_533 = arith.constant 0 : i32
    %dma_start3A_534 = tpu.memref_slice %arg2[%dma_start3A_532, %dma_start3A_533] : memref<100000x128xf32, #tpu.memory_space<hbm>> -> memref<100000x128xf32, #tpu.memory_space<hbm>>
    tpu.enqueue_indirect_dma source(%dma_start3A_534 : memref<100000x128xf32, #tpu.memory_space<hbm>>) target(%dma_start3A_528 : memref<50x128xf32, #tpu.memory_space<vmem>>) offsets(%dma_start3A_531 : memref<50xi32, #tpu.memory_space<vmem>>) semaphore(%arg7 : memref<!tpu.dma_semaphore, #tpu.memory_space<semaphore_mem>>)
    %dma_start3A_535 = arith.constant 4 : i32
    %dma_start3A_536 = arith.constant 200 : i32
    %dma_start3A_537 = arith.constant 0 : i32
    %dma_start3A_538 = tpu.memref_slice %arg6[%dma_start3A_536, %dma_start3A_537] : memref<400x128xf32, #tpu.memory_space<vmem>> -> memref<50x128xf32, #tpu.memory_space<vmem>>
    %dma_start3A_539 = arith.constant 0 : i32
    %dma_start3A_540 = tpu.memref_slice %arg5[%dma_start3A_535, %dma_start3A_539] : memref<8x50xi32, #tpu.memory_space<vmem>> -> memref<1x50xi32, #tpu.memory_space<vmem>>
    %dma_start3A_541 = tpu.memref_squeeze %dma_start3A_540 : memref<1x50xi32, #tpu.memory_space<vmem>> -> memref<50xi32, #tpu.memory_space<vmem>>
    %dma_start3A_542 = arith.constant 0 : i32
    %dma_start3A_543 = arith.constant 0 : i32
    %dma_start3A_544 = tpu.memref_slice %arg2[%dma_start3A_542, %dma_start3A_543] : memref<100000x128xf32, #tpu.memory_space<hbm>> -> memref<100000x128xf32, #tpu.memory_space<hbm>>
    tpu.enqueue_indirect_dma source(%dma_start3A_544 : memref<100000x128xf32, #tpu.memory_space<hbm>>) target(%dma_start3A_538 : memref<50x128xf32, #tpu.memory_space<vmem>>) offsets(%dma_start3A_541 : memref<50xi32, #tpu.memory_space<vmem>>) semaphore(%arg7 : memref<!tpu.dma_semaphore, #tpu.memory_space<semaphore_mem>>)
    %dma_start3A_545 = arith.constant 5 : i32
    %dma_start3A_546 = arith.constant 250 : i32
    %dma_start3A_547 = arith.constant 0 : i32
    %dma_start3A_548 = tpu.memref_slice %arg6[%dma_start3A_546, %dma_start3A_547] : memref<400x128xf32, #tpu.memory_space<vmem>> -> memref<50x128xf32, #tpu.memory_space<vmem>>
    %dma_start3A_549 = arith.constant 0 : i32
    %dma_start3A_550 = tpu.memref_slice %arg5[%dma_start3A_545, %dma_start3A_549] : memref<8x50xi32, #tpu.memory_space<vmem>> -> memref<1x50xi32, #tpu.memory_space<vmem>>
    %dma_start3A_551 = tpu.memref_squeeze %dma_start3A_550 : memref<1x50xi32, #tpu.memory_space<vmem>> -> memref<50xi32, #tpu.memory_space<vmem>>
    %dma_start3A_552 = arith.constant 0 : i32
    %dma_start3A_553 = arith.constant 0 : i32
    %dma_start3A_554 = tpu.memref_slice %arg2[%dma_start3A_552, %dma_start3A_553] : memref<100000x128xf32, #tpu.memory_space<hbm>> -> memref<100000x128xf32, #tpu.memory_space<hbm>>
    tpu.enqueue_indirect_dma source(%dma_start3A_554 : memref<100000x128xf32, #tpu.memory_space<hbm>>) target(%dma_start3A_548 : memref<50x128xf32, #tpu.memory_space<vmem>>) offsets(%dma_start3A_551 : memref<50xi32, #tpu.memory_space<vmem>>) semaphore(%arg7 : memref<!tpu.dma_semaphore, #tpu.memory_space<semaphore_mem>>)
    %dma_start3A_555 = arith.constant 6 : i32
    %dma_start3A_556 = arith.constant 300 : i32
    %dma_start3A_557 = arith.constant 0 : i32
    %dma_start3A_558 = tpu.memref_slice %arg6[%dma_start3A_556, %dma_start3A_557] : memref<400x128xf32, #tpu.memory_space<vmem>> -> memref<50x128xf32, #tpu.memory_space<vmem>>
    %dma_start3A_559 = arith.constant 0 : i32
    %dma_start3A_560 = tpu.memref_slice %arg5[%dma_start3A_555, %dma_start3A_559] : memref<8x50xi32, #tpu.memory_space<vmem>> -> memref<1x50xi32, #tpu.memory_space<vmem>>
    %dma_start3A_561 = tpu.memref_squeeze %dma_start3A_560 : memref<1x50xi32, #tpu.memory_space<vmem>> -> memref<50xi32, #tpu.memory_space<vmem>>
    %dma_start3A_562 = arith.constant 0 : i32
    %dma_start3A_563 = arith.constant 0 : i32
    %dma_start3A_564 = tpu.memref_slice %arg2[%dma_start3A_562, %dma_start3A_563] : memref<100000x128xf32, #tpu.memory_space<hbm>> -> memref<100000x128xf32, #tpu.memory_space<hbm>>
    tpu.enqueue_indirect_dma source(%dma_start3A_564 : memref<100000x128xf32, #tpu.memory_space<hbm>>) target(%dma_start3A_558 : memref<50x128xf32, #tpu.memory_space<vmem>>) offsets(%dma_start3A_561 : memref<50xi32, #tpu.memory_space<vmem>>) semaphore(%arg7 : memref<!tpu.dma_semaphore, #tpu.memory_space<semaphore_mem>>)
    %dma_start3A_565 = arith.constant 7 : i32
    %dma_start3A_566 = arith.constant 350 : i32
    %dma_start3A_567 = arith.constant 0 : i32
    %dma_start3A_568 = tpu.memref_slice %arg6[%dma_start3A_566, %dma_start3A_567] : memref<400x128xf32, #tpu.memory_space<vmem>> -> memref<50x128xf32, #tpu.memory_space<vmem>>
    %dma_start3A_569 = arith.constant 0 : i32
    %dma_start3A_570 = tpu.memref_slice %arg5[%dma_start3A_565, %dma_start3A_569] : memref<8x50xi32, #tpu.memory_space<vmem>> -> memref<1x50xi32, #tpu.memory_space<vmem>>
    %dma_start3A_571 = tpu.memref_squeeze %dma_start3A_570 : memref<1x50xi32, #tpu.memory_space<vmem>> -> memref<50xi32, #tpu.memory_space<vmem>>
    %dma_start3A_572 = arith.constant 0 : i32
    %dma_start3A_573 = arith.constant 0 : i32
    %dma_start3A_574 = tpu.memref_slice %arg2[%dma_start3A_572, %dma_start3A_573] : memref<100000x128xf32, #tpu.memory_space<hbm>> -> memref<100000x128xf32, #tpu.memory_space<hbm>>
    tpu.enqueue_indirect_dma source(%dma_start3A_574 : memref<100000x128xf32, #tpu.memory_space<hbm>>) target(%dma_start3A_568 : memref<50x128xf32, #tpu.memory_space<vmem>>) offsets(%dma_start3A_571 : memref<50xi32, #tpu.memory_space<vmem>>) semaphore(%arg7 : memref<!tpu.dma_semaphore, #tpu.memory_space<semaphore_mem>>)
    %dma_wait3A_575 = arith.constant 0 : i32
    %dma_wait3A_576 = arith.constant 0 : i32
    %dma_wait3A_577 = arith.constant 0 : i32
    %dma_wait3A_578 = tpu.memref_slice %arg6[%dma_wait3A_576, %dma_wait3A_577] : memref<400x128xf32, #tpu.memory_space<vmem>> -> memref<50x128xf32, #tpu.memory_space<vmem>>
    %dma_wait3A_579 = arith.constant 0 : i32
    %dma_wait3A_580 = tpu.memref_slice %arg5[%dma_wait3A_575, %dma_wait3A_579] : memref<8x50xi32, #tpu.memory_space<vmem>> -> memref<1x50xi32, #tpu.memory_space<vmem>>
    %dma_wait3A_581 = tpu.memref_squeeze %dma_wait3A_580 : memref<1x50xi32, #tpu.memory_space<vmem>> -> memref<50xi32, #tpu.memory_space<vmem>>
    %dma_wait3A_582 = arith.constant 0 : i32
    %dma_wait3A_583 = arith.constant 0 : i32
    %dma_wait3A_584 = tpu.memref_slice %arg2[%dma_wait3A_582, %dma_wait3A_583] : memref<100000x128xf32, #tpu.memory_space<hbm>> -> memref<100000x128xf32, #tpu.memory_space<hbm>>
    tpu.wait_indirect_dma semaphore(%arg7 : memref<!tpu.dma_semaphore, #tpu.memory_space<semaphore_mem>>) src(%dma_wait3A_584 : memref<100000x128xf32, #tpu.memory_space<hbm>>) dst(%dma_wait3A_578 : memref<50x128xf32, #tpu.memory_space<vmem>>)
    %dma_wait3A_585 = arith.constant 1 : i32
    %dma_wait3A_586 = arith.constant 50 : i32
    %dma_wait3A_587 = arith.constant 0 : i32
    %dma_wait3A_588 = tpu.memref_slice %arg6[%dma_wait3A_586, %dma_wait3A_587] : memref<400x128xf32, #tpu.memory_space<vmem>> -> memref<50x128xf32, #tpu.memory_space<vmem>>
    %dma_wait3A_589 = arith.constant 0 : i32
    %dma_wait3A_590 = tpu.memref_slice %arg5[%dma_wait3A_585, %dma_wait3A_589] : memref<8x50xi32, #tpu.memory_space<vmem>> -> memref<1x50xi32, #tpu.memory_space<vmem>>
    %dma_wait3A_591 = tpu.memref_squeeze %dma_wait3A_590 : memref<1x50xi32, #tpu.memory_space<vmem>> -> memref<50xi32, #tpu.memory_space<vmem>>
    %dma_wait3A_592 = arith.constant 0 : i32
    %dma_wait3A_593 = arith.constant 0 : i32
    %dma_wait3A_594 = tpu.memref_slice %arg2[%dma_wait3A_592, %dma_wait3A_593] : memref<100000x128xf32, #tpu.memory_space<hbm>> -> memref<100000x128xf32, #tpu.memory_space<hbm>>
    tpu.wait_indirect_dma semaphore(%arg7 : memref<!tpu.dma_semaphore, #tpu.memory_space<semaphore_mem>>) src(%dma_wait3A_594 : memref<100000x128xf32, #tpu.memory_space<hbm>>) dst(%dma_wait3A_588 : memref<50x128xf32, #tpu.memory_space<vmem>>)
    %dma_wait3A_595 = arith.constant 2 : i32
    %dma_wait3A_596 = arith.constant 100 : i32
    %dma_wait3A_597 = arith.constant 0 : i32
    %dma_wait3A_598 = tpu.memref_slice %arg6[%dma_wait3A_596, %dma_wait3A_597] : memref<400x128xf32, #tpu.memory_space<vmem>> -> memref<50x128xf32, #tpu.memory_space<vmem>>
    %dma_wait3A_599 = arith.constant 0 : i32
    %dma_wait3A_600 = tpu.memref_slice %arg5[%dma_wait3A_595, %dma_wait3A_599] : memref<8x50xi32, #tpu.memory_space<vmem>> -> memref<1x50xi32, #tpu.memory_space<vmem>>
    %dma_wait3A_601 = tpu.memref_squeeze %dma_wait3A_600 : memref<1x50xi32, #tpu.memory_space<vmem>> -> memref<50xi32, #tpu.memory_space<vmem>>
    %dma_wait3A_602 = arith.constant 0 : i32
    %dma_wait3A_603 = arith.constant 0 : i32
    %dma_wait3A_604 = tpu.memref_slice %arg2[%dma_wait3A_602, %dma_wait3A_603] : memref<100000x128xf32, #tpu.memory_space<hbm>> -> memref<100000x128xf32, #tpu.memory_space<hbm>>
    tpu.wait_indirect_dma semaphore(%arg7 : memref<!tpu.dma_semaphore, #tpu.memory_space<semaphore_mem>>) src(%dma_wait3A_604 : memref<100000x128xf32, #tpu.memory_space<hbm>>) dst(%dma_wait3A_598 : memref<50x128xf32, #tpu.memory_space<vmem>>)
    %dma_wait3A_605 = arith.constant 3 : i32
    %dma_wait3A_606 = arith.constant 150 : i32
    %dma_wait3A_607 = arith.constant 0 : i32
    %dma_wait3A_608 = tpu.memref_slice %arg6[%dma_wait3A_606, %dma_wait3A_607] : memref<400x128xf32, #tpu.memory_space<vmem>> -> memref<50x128xf32, #tpu.memory_space<vmem>>
    %dma_wait3A_609 = arith.constant 0 : i32
    %dma_wait3A_610 = tpu.memref_slice %arg5[%dma_wait3A_605, %dma_wait3A_609] : memref<8x50xi32, #tpu.memory_space<vmem>> -> memref<1x50xi32, #tpu.memory_space<vmem>>
    %dma_wait3A_611 = tpu.memref_squeeze %dma_wait3A_610 : memref<1x50xi32, #tpu.memory_space<vmem>> -> memref<50xi32, #tpu.memory_space<vmem>>
    %dma_wait3A_612 = arith.constant 0 : i32
    %dma_wait3A_613 = arith.constant 0 : i32
    %dma_wait3A_614 = tpu.memref_slice %arg2[%dma_wait3A_612, %dma_wait3A_613] : memref<100000x128xf32, #tpu.memory_space<hbm>> -> memref<100000x128xf32, #tpu.memory_space<hbm>>
    tpu.wait_indirect_dma semaphore(%arg7 : memref<!tpu.dma_semaphore, #tpu.memory_space<semaphore_mem>>) src(%dma_wait3A_614 : memref<100000x128xf32, #tpu.memory_space<hbm>>) dst(%dma_wait3A_608 : memref<50x128xf32, #tpu.memory_space<vmem>>)
    %dma_wait3A_615 = arith.constant 4 : i32
    %dma_wait3A_616 = arith.constant 200 : i32
    %dma_wait3A_617 = arith.constant 0 : i32
    %dma_wait3A_618 = tpu.memref_slice %arg6[%dma_wait3A_616, %dma_wait3A_617] : memref<400x128xf32, #tpu.memory_space<vmem>> -> memref<50x128xf32, #tpu.memory_space<vmem>>
    %dma_wait3A_619 = arith.constant 0 : i32
    %dma_wait3A_620 = tpu.memref_slice %arg5[%dma_wait3A_615, %dma_wait3A_619] : memref<8x50xi32, #tpu.memory_space<vmem>> -> memref<1x50xi32, #tpu.memory_space<vmem>>
    %dma_wait3A_621 = tpu.memref_squeeze %dma_wait3A_620 : memref<1x50xi32, #tpu.memory_space<vmem>> -> memref<50xi32, #tpu.memory_space<vmem>>
    %dma_wait3A_622 = arith.constant 0 : i32
    %dma_wait3A_623 = arith.constant 0 : i32
    %dma_wait3A_624 = tpu.memref_slice %arg2[%dma_wait3A_622, %dma_wait3A_623] : memref<100000x128xf32, #tpu.memory_space<hbm>> -> memref<100000x128xf32, #tpu.memory_space<hbm>>
    tpu.wait_indirect_dma semaphore(%arg7 : memref<!tpu.dma_semaphore, #tpu.memory_space<semaphore_mem>>) src(%dma_wait3A_624 : memref<100000x128xf32, #tpu.memory_space<hbm>>) dst(%dma_wait3A_618 : memref<50x128xf32, #tpu.memory_space<vmem>>)
    %dma_wait3A_625 = arith.constant 5 : i32
    %dma_wait3A_626 = arith.constant 250 : i32
    %dma_wait3A_627 = arith.constant 0 : i32
    %dma_wait3A_628 = tpu.memref_slice %arg6[%dma_wait3A_626, %dma_wait3A_627] : memref<400x128xf32, #tpu.memory_space<vmem>> -> memref<50x128xf32, #tpu.memory_space<vmem>>
    %dma_wait3A_629 = arith.constant 0 : i32
    %dma_wait3A_630 = tpu.memref_slice %arg5[%dma_wait3A_625, %dma_wait3A_629] : memref<8x50xi32, #tpu.memory_space<vmem>> -> memref<1x50xi32, #tpu.memory_space<vmem>>
    %dma_wait3A_631 = tpu.memref_squeeze %dma_wait3A_630 : memref<1x50xi32, #tpu.memory_space<vmem>> -> memref<50xi32, #tpu.memory_space<vmem>>
    %dma_wait3A_632 = arith.constant 0 : i32
    %dma_wait3A_633 = arith.constant 0 : i32
    %dma_wait3A_634 = tpu.memref_slice %arg2[%dma_wait3A_632, %dma_wait3A_633] : memref<100000x128xf32, #tpu.memory_space<hbm>> -> memref<100000x128xf32, #tpu.memory_space<hbm>>
    tpu.wait_indirect_dma semaphore(%arg7 : memref<!tpu.dma_semaphore, #tpu.memory_space<semaphore_mem>>) src(%dma_wait3A_634 : memref<100000x128xf32, #tpu.memory_space<hbm>>) dst(%dma_wait3A_628 : memref<50x128xf32, #tpu.memory_space<vmem>>)
    %dma_wait3A_635 = arith.constant 6 : i32
    %dma_wait3A_636 = arith.constant 300 : i32
    %dma_wait3A_637 = arith.constant 0 : i32
    %dma_wait3A_638 = tpu.memref_slice %arg6[%dma_wait3A_636, %dma_wait3A_637] : memref<400x128xf32, #tpu.memory_space<vmem>> -> memref<50x128xf32, #tpu.memory_space<vmem>>
    %dma_wait3A_639 = arith.constant 0 : i32
    %dma_wait3A_640 = tpu.memref_slice %arg5[%dma_wait3A_635, %dma_wait3A_639] : memref<8x50xi32, #tpu.memory_space<vmem>> -> memref<1x50xi32, #tpu.memory_space<vmem>>
    %dma_wait3A_641 = tpu.memref_squeeze %dma_wait3A_640 : memref<1x50xi32, #tpu.memory_space<vmem>> -> memref<50xi32, #tpu.memory_space<vmem>>
    %dma_wait3A_642 = arith.constant 0 : i32
    %dma_wait3A_643 = arith.constant 0 : i32
    %dma_wait3A_644 = tpu.memref_slice %arg2[%dma_wait3A_642, %dma_wait3A_643] : memref<100000x128xf32, #tpu.memory_space<hbm>> -> memref<100000x128xf32, #tpu.memory_space<hbm>>
    tpu.wait_indirect_dma semaphore(%arg7 : memref<!tpu.dma_semaphore, #tpu.memory_space<semaphore_mem>>) src(%dma_wait3A_644 : memref<100000x128xf32, #tpu.memory_space<hbm>>) dst(%dma_wait3A_638 : memref<50x128xf32, #tpu.memory_space<vmem>>)
    %dma_wait3A_645 = arith.constant 7 : i32
    %dma_wait3A_646 = arith.constant 350 : i32
    %dma_wait3A_647 = arith.constant 0 : i32
    %dma_wait3A_648 = tpu.memref_slice %arg6[%dma_wait3A_646, %dma_wait3A_647] : memref<400x128xf32, #tpu.memory_space<vmem>> -> memref<50x128xf32, #tpu.memory_space<vmem>>
    %dma_wait3A_649 = arith.constant 0 : i32
    %dma_wait3A_650 = tpu.memref_slice %arg5[%dma_wait3A_645, %dma_wait3A_649] : memref<8x50xi32, #tpu.memory_space<vmem>> -> memref<1x50xi32, #tpu.memory_space<vmem>>
    %dma_wait3A_651 = tpu.memref_squeeze %dma_wait3A_650 : memref<1x50xi32, #tpu.memory_space<vmem>> -> memref<50xi32, #tpu.memory_space<vmem>>
    %dma_wait3A_652 = arith.constant 0 : i32
    %dma_wait3A_653 = arith.constant 0 : i32
    %dma_wait3A_654 = tpu.memref_slice %arg2[%dma_wait3A_652, %dma_wait3A_653] : memref<100000x128xf32, #tpu.memory_space<hbm>> -> memref<100000x128xf32, #tpu.memory_space<hbm>>
    tpu.wait_indirect_dma semaphore(%arg7 : memref<!tpu.dma_semaphore, #tpu.memory_space<semaphore_mem>>) src(%dma_wait3A_654 : memref<100000x128xf32, #tpu.memory_space<hbm>>) dst(%dma_wait3A_648 : memref<50x128xf32, #tpu.memory_space<vmem>>)
    %mul3A_655 = arith.constant 50 : i32
    %mul3A_656 = arith.muli %add3A_494, %mul3A_655 : i32
    "tpu.region"() ({
      %run_scoped3A = tpu.sem_alloc : memref<!tpu.dma_semaphore, #tpu.memory_space<semaphore_mem>>
      %dma_start3A_657 = arith.constant 0 : i32
      %dma_start3A_658 = tpu.memref_slice %arg4[%mul3A_656, %dma_start3A_657] : memref<51200x128xf32, #tpu.memory_space<hbm>> -> memref<400x128xf32, #tpu.memory_space<hbm>>
      %dma_start3A_659 = arith.constant 0 : i32
      %dma_start3A_660 = tpu.memref_slice %arg4[%mul3A_656, %dma_start3A_659] : memref<51200x128xf32, #tpu.memory_space<hbm>> -> memref<400x128xf32, #tpu.memory_space<hbm>>
      tpu.enqueue_dma source(%arg6 : memref<400x128xf32, #tpu.memory_space<vmem>>) target(%dma_start3A_660 : memref<400x128xf32, #tpu.memory_space<hbm>>) target_semaphore(%run_scoped3A : memref<!tpu.dma_semaphore, #tpu.memory_space<semaphore_mem>>)
      %dma_wait3A_661 = arith.constant 0 : i32
      %dma_wait3A_662 = tpu.memref_slice %arg4[%mul3A_656, %dma_wait3A_661] : memref<51200x128xf32, #tpu.memory_space<hbm>> -> memref<400x128xf32, #tpu.memory_space<hbm>>
      %dma_wait3A_663 = arith.constant 0 : i32
      %dma_wait3A_664 = tpu.memref_slice %arg4[%mul3A_656, %dma_wait3A_663] : memref<51200x128xf32, #tpu.memory_space<hbm>> -> memref<400x128xf32, #tpu.memory_space<hbm>>
      tpu.wait_dma2 semaphore(%run_scoped3A : memref<!tpu.dma_semaphore, #tpu.memory_space<semaphore_mem>>) src(%arg6 : memref<400x128xf32, #tpu.memory_space<vmem>>) dst(%dma_wait3A_664 : memref<400x128xf32, #tpu.memory_space<hbm>>)
      tpu.yield
    }) : () -> ()
    return
  }
}

module attributes {stable_mosaic.version = 14 : i64} {
  func.func @body(%arg0: i32, %arg1: memref<400x128xf32, #tpu.memory_space<vmem>>, %arg2: memref<8x50x128xf32, #tpu.memory_space<vmem>>) attributes {dimension_semantics = [#tpu.dimension_semantics<parallel>], iteration_bounds = array<i64: 128>, scalar_prefetch = 0 : i64, scratch_operands = 0 : i64, tpu.core_type = #tpu.core_type<tc>, window_params = [{transform_indices = @transform_0, window_bounds = array<i64: 400, 128>}, {transform_indices = @transform_1, window_bounds = array<i64: 8, 50, 128>}]} {
    %get3A = arith.constant 0 : index
    %get3A_0 = arith.constant 0 : index
    %get3A_1 = vector.load %arg1[%get3A, %get3A_0] : memref<400x128xf32, #tpu.memory_space<vmem>>, vector<400x128xf32>
    %exp3A = math.exp %get3A_1 : vector<400x128xf32>
    %reduce_sum3A = arith.constant dense<0.000000e+00> : vector<400xf32>
    %reduce_sum3A_2 = vector.multi_reduction <add>, %exp3A, %reduce_sum3A [1] : vector<400x128xf32> to vector<400xf32>
    %broadcast_in_dim3A = vector.shape_cast %reduce_sum3A_2 : vector<400xf32> to vector<400x1xf32>
    %div3A = arith.constant 1.000000e+00 : f32
    %div3A_3 = vector.broadcast %div3A : f32 to vector<400x1xf32>
    %div3A_4 = arith.divf %div3A_3, %broadcast_in_dim3A : vector<400x1xf32>
    %mul3A = vector.broadcast %div3A_4 : vector<400x1xf32> to vector<400x128xf32>
    %mul3A_5 = arith.mulf %exp3A, %mul3A : vector<400x128xf32>
    %slice3A = vector.extract_strided_slice %mul3A_5 {offsets = [0, 0], sizes = [50, 128], strides = [1, 1]} : vector<400x128xf32> to vector<50x128xf32>
    %swap3A = arith.constant 0 : index
    %swap3A_6 = arith.constant 0 : index
    %swap3A_7 = arith.constant 0 : index
    %swap3A_8 = vector.load %arg2[%swap3A, %swap3A_6, %swap3A_7] : memref<8x50x128xf32, #tpu.memory_space<vmem>>, vector<1x50x128xf32>
    %swap3A_9 = vector.shape_cast %swap3A_8 : vector<1x50x128xf32> to vector<50x128xf32>
    %swap3A_10 = vector.shape_cast %slice3A : vector<50x128xf32> to vector<1x50x128xf32>
    tpu.vector_store %arg2[%swap3A, %swap3A_6, %swap3A_7], %swap3A_10 {strides = array<i32>} : memref<8x50x128xf32, #tpu.memory_space<vmem>>, vector<1x50x128xf32>,
    %slice3A_11 = vector.extract_strided_slice %mul3A_5 {offsets = [50, 0], sizes = [50, 128], strides = [1, 1]} : vector<400x128xf32> to vector<50x128xf32>
    %swap3A_12 = arith.constant 1 : index
    %swap3A_13 = arith.constant 0 : index
    %swap3A_14 = arith.constant 0 : index
    %swap3A_15 = vector.load %arg2[%swap3A_12, %swap3A_13, %swap3A_14] : memref<8x50x128xf32, #tpu.memory_space<vmem>>, vector<1x50x128xf32>
    %swap3A_16 = vector.shape_cast %swap3A_15 : vector<1x50x128xf32> to vector<50x128xf32>
    %swap3A_17 = vector.shape_cast %slice3A_11 : vector<50x128xf32> to vector<1x50x128xf32>
    tpu.vector_store %arg2[%swap3A_12, %swap3A_13, %swap3A_14], %swap3A_17 {strides = array<i32>} : memref<8x50x128xf32, #tpu.memory_space<vmem>>, vector<1x50x128xf32>,
    %slice3A_18 = vector.extract_strided_slice %mul3A_5 {offsets = [100, 0], sizes = [50, 128], strides = [1, 1]} : vector<400x128xf32> to vector<50x128xf32>
    %swap3A_19 = arith.constant 2 : index
    %swap3A_20 = arith.constant 0 : index
    %swap3A_21 = arith.constant 0 : index
    %swap3A_22 = vector.load %arg2[%swap3A_19, %swap3A_20, %swap3A_21] : memref<8x50x128xf32, #tpu.memory_space<vmem>>, vector<1x50x128xf32>
    %swap3A_23 = vector.shape_cast %swap3A_22 : vector<1x50x128xf32> to vector<50x128xf32>
    %swap3A_24 = vector.shape_cast %slice3A_18 : vector<50x128xf32> to vector<1x50x128xf32>
    tpu.vector_store %arg2[%swap3A_19, %swap3A_20, %swap3A_21], %swap3A_24 {strides = array<i32>} : memref<8x50x128xf32, #tpu.memory_space<vmem>>, vector<1x50x128xf32>,
    %slice3A_25 = vector.extract_strided_slice %mul3A_5 {offsets = [150, 0], sizes = [50, 128], strides = [1, 1]} : vector<400x128xf32> to vector<50x128xf32>
    %swap3A_26 = arith.constant 3 : index
    %swap3A_27 = arith.constant 0 : index
    %swap3A_28 = arith.constant 0 : index
    %swap3A_29 = vector.load %arg2[%swap3A_26, %swap3A_27, %swap3A_28] : memref<8x50x128xf32, #tpu.memory_space<vmem>>, vector<1x50x128xf32>
    %swap3A_30 = vector.shape_cast %swap3A_29 : vector<1x50x128xf32> to vector<50x128xf32>
    %swap3A_31 = vector.shape_cast %slice3A_25 : vector<50x128xf32> to vector<1x50x128xf32>
    tpu.vector_store %arg2[%swap3A_26, %swap3A_27, %swap3A_28], %swap3A_31 {strides = array<i32>} : memref<8x50x128xf32, #tpu.memory_space<vmem>>, vector<1x50x128xf32>,
    %slice3A_32 = vector.extract_strided_slice %mul3A_5 {offsets = [200, 0], sizes = [50, 128], strides = [1, 1]} : vector<400x128xf32> to vector<50x128xf32>
    %swap3A_33 = arith.constant 4 : index
    %swap3A_34 = arith.constant 0 : index
    %swap3A_35 = arith.constant 0 : index
    %swap3A_36 = vector.load %arg2[%swap3A_33, %swap3A_34, %swap3A_35] : memref<8x50x128xf32, #tpu.memory_space<vmem>>, vector<1x50x128xf32>
    %swap3A_37 = vector.shape_cast %swap3A_36 : vector<1x50x128xf32> to vector<50x128xf32>
    %swap3A_38 = vector.shape_cast %slice3A_32 : vector<50x128xf32> to vector<1x50x128xf32>
    tpu.vector_store %arg2[%swap3A_33, %swap3A_34, %swap3A_35], %swap3A_38 {strides = array<i32>} : memref<8x50x128xf32, #tpu.memory_space<vmem>>, vector<1x50x128xf32>,
    %slice3A_39 = vector.extract_strided_slice %mul3A_5 {offsets = [250, 0], sizes = [50, 128], strides = [1, 1]} : vector<400x128xf32> to vector<50x128xf32>
    %swap3A_40 = arith.constant 5 : index
    %swap3A_41 = arith.constant 0 : index
    %swap3A_42 = arith.constant 0 : index
    %swap3A_43 = vector.load %arg2[%swap3A_40, %swap3A_41, %swap3A_42] : memref<8x50x128xf32, #tpu.memory_space<vmem>>, vector<1x50x128xf32>
    %swap3A_44 = vector.shape_cast %swap3A_43 : vector<1x50x128xf32> to vector<50x128xf32>
    %swap3A_45 = vector.shape_cast %slice3A_39 : vector<50x128xf32> to vector<1x50x128xf32>
    tpu.vector_store %arg2[%swap3A_40, %swap3A_41, %swap3A_42], %swap3A_45 {strides = array<i32>} : memref<8x50x128xf32, #tpu.memory_space<vmem>>, vector<1x50x128xf32>,
    %slice3A_46 = vector.extract_strided_slice %mul3A_5 {offsets = [300, 0], sizes = [50, 128], strides = [1, 1]} : vector<400x128xf32> to vector<50x128xf32>
    %swap3A_47 = arith.constant 6 : index
    %swap3A_48 = arith.constant 0 : index
    %swap3A_49 = arith.constant 0 : index
    %swap3A_50 = vector.load %arg2[%swap3A_47, %swap3A_48, %swap3A_49] : memref<8x50x128xf32, #tpu.memory_space<vmem>>, vector<1x50x128xf32>
    %swap3A_51 = vector.shape_cast %swap3A_50 : vector<1x50x128xf32> to vector<50x128xf32>
    %swap3A_52 = vector.shape_cast %slice3A_46 : vector<50x128xf32> to vector<1x50x128xf32>
    tpu.vector_store %arg2[%swap3A_47, %swap3A_48, %swap3A_49], %swap3A_52 {strides = array<i32>} : memref<8x50x128xf32, #tpu.memory_space<vmem>>, vector<1x50x128xf32>,
    %slice3A_53 = vector.extract_strided_slice %mul3A_5 {offsets = [350, 0], sizes = [50, 128], strides = [1, 1]} : vector<400x128xf32> to vector<50x128xf32>
    %swap3A_54 = arith.constant 7 : index
    %swap3A_55 = arith.constant 0 : index
    %swap3A_56 = arith.constant 0 : index
    %swap3A_57 = vector.load %arg2[%swap3A_54, %swap3A_55, %swap3A_56] : memref<8x50x128xf32, #tpu.memory_space<vmem>>, vector<1x50x128xf32>
    %swap3A_58 = vector.shape_cast %swap3A_57 : vector<1x50x128xf32> to vector<50x128xf32>
    %swap3A_59 = vector.shape_cast %slice3A_53 : vector<50x128xf32> to vector<1x50x128xf32>
    tpu.vector_store %arg2[%swap3A_54, %swap3A_55, %swap3A_56], %swap3A_59 {strides = array<i32>} : memref<8x50x128xf32, #tpu.memory_space<vmem>>, vector<1x50x128xf32>,
    return
  }
  func.func @transform_0(%arg0: i32) -> (i32, i32) {
    %c0_i32 = arith.constant 0 : i32
    %c0_i32_0 = arith.constant 0 : i32
    return %arg0, %c0_i32 : i32, i32
  }
  func.func @transform_1(%arg0: i32) -> (i32, i32, i32) {
    %c0_i32 = arith.constant 0 : i32
    %c0_i32_0 = arith.constant 0 : i32
    %c0_i32_1 = arith.constant 0 : i32
    return %arg0, %c0_i32, %c0_i32_0 : i32, i32, i32
  }
}

</mosaic_0001>

<sc_bundles>
// kernel: kernel.4.cloned.1.call-start
scs
__scs_entry_jumppad:
0x0: {  	(pc) =	sbr.rel $0x88, $3  }
0x1: {  	(tag) =	ssettag $0x0;
	lr =	simm.s32 $0x1  }
0x2: {  	[smem:$0x3F9F] =	sst lr;
	_ =	strace $0xD0000000  }
0x3: {  	_ = 	snop  }
0x4: {  	_ = 	snop  }
0x5: {  	_ = 	snop  }
0x6: {  	_ = 	snop  }
0x7: {  	_ = 	snop  }
__scs_overlays_trampoline_lowered:
0x8: {  	[smem:$0x3FAE] =	sst s0  }
0x9: {  	[smem:$0x3FAF] =	sst s1  }
0xa: {  	[smem:$0x3FB0] =	sst s2  }
0xb: {  	[smem:$0x3FB1] =	sst s3  }
0xc: {  	[smem:$0x3FB2] =	sst s4  }
0xd: {  	[smem:$0x3FB3] =	sst s5  }
0xe: {  	[smem:$0x3FB4] =	sst s6  }
0xf: {  	[smem:$0x3FB5] =	sst s7  }
0x10: {  	[smem:$0x3FB6] =	sst s8  }
0x11: {  	[smem:$0x3FB7] =	sst s9;
	s0 =	simm.s32 @!p0 $0x0  }
0x12: {  	s1 =	sld [smem:$0x3F9D];
	s0 =	simm.s32 @p0 $0x1  }
0x13: {  	[smem:$0x3FB8] =	sst s0;
	s0 =	simm.s32 @!p1 $0x0  }
0x14: {  	s2 =	sld [smem:$0x3F9C];
	s0 =	simm.s32 @p1 $0x1  }
0x15: {  	[smem:$0x3FB9] =	sst s0;
	s0 =	simm.s32 @!p2 $0x0  }
0x16: {  	s3 =	sld [smem:$0x3FDB];
	s0 =	simm.s32 @p2 $0x1  }
0x17: {  	s4 =	simm.s32 $0x1BF5;
	[smem:$0x3FBB] =	sst s0  }
0x18: {  	s0 =	sld [smem:$0x3F9E];
	_ =	swait.ge [sflag:s4], $0x0  }
0x19: {  	s7 =	sld [smem:$0x3F9F]  }
0x1a: {  	s8 =	sadd.s32 $0xFFFFE003, lr  }
0x1b: {  	s9 =	sadd.s32 $0xFFFFFEF7, lr;
	s5 =	simm.s32 $0xFFFFFFFF;
	p2 =	slt.u32 s8, $0xFFFFF086  }
0x1c: {  	p1 =	slt.u32 s9, $0xF7A;
	s5 =	simm.s32 @!p2 $0x0  }
0x1d: {  	s5 =	simm.s32 @p1 $0x1;
	p0 =	seq.s32 s7, s2  }
0x1e: {  	s7 =	smul.u32 @!p0 $0xF7A, s2;
	p2 =	seq.s32 @!p0 s5, $0x0  }
0x1f: {  	s9 =	smul.u32 $0xF7A, s1;
	s8 =	simm.s32 @!p0 $0x1BF5;
	p2 =	por !p2, p0  }
0x20: {  	[sflag:s8] =	ssyncset.s32 @!p0 $0xFFFFF086;
	s6 =	sadd.s32 @!p0 s3, s7;
	s7 =	simm.s32 @!p0 $0x108  }
0x21: {  	s3 =	sadd.s32 s3, s9;
	s6 =	sadd.s32 @!p0 $0x88, s6;
	s7 =	simm.s32 @p2 $0x1082  }
0x22: {  	[simem:s7], [sflag:s8] =	dma.local @!p0 [hbm:s6], $0xF7A  }
0x23: {  	s9 =	sor.u32 $0xD0000000, s2;
	s6 =	simm.s32 $0x108;
	_ =	swait.ge @!p0 [sflag:s8], $0x0  }
0x24: {  	s3 =	sadd.s32 $0x88, s3;
	s6 =	simm.s32 @!p1 $0x1082;
	[sflag:s4] =	ssyncset.s32 $0xFFFFF086  }
0x25: {  	[simem:s6], [sflag:s4] =	dma.local [hbm:s3], $0xF7A  }
0x26: {  	[smem:$0x3F9F] =	sst s1;
	(tag) =	ssettag s2;
	_ =	strace s9  }
0x27: {  	s1 =	sld [smem:$0x3FAF]  }
0x28: {  	s2 =	sld [smem:$0x3FB0]  }
0x29: {  	s4 =	sld [smem:$0x3FB2]  }
0x2a: {  	p0 =	seq.s32 s5, $0x0;
	s5 =	sld [smem:$0x3FB3]  }
0x2b: {  	s6 =	sld [smem:$0x3FB4]  }
0x2c: {  	s7 =	sld [smem:$0x3FB5]  }
0x2d: {  	s3 =	simm.s32 $0x108;
	s8 =	sld [smem:$0x3FB6]  }
0x2e: {  	s3 =	simm.s32 @!p0 $0x1082;
	s9 =	sld [smem:$0x3FB7]  }
0x2f: {  	lr =	sadd.s32 s0, s3;
	s0 =	sld [smem:$0x3FAE]  }
0x30: {  	s3 =	sld [smem:$0x3FB1]  }
0x31: {  	[smem:$0x3FBA] =	sst s10  }
0x32: {  	s10 =	sld [smem:$0x3FB8];
	_ =	sdelay $0x3  }
0x33: {  	p0 =	seq.s32 s10, $0x1;
	s10 =	sld [smem:$0x3FBA];
	_ =	sdelay $0x3  }
0x34: {  	[smem:$0x3FBA] =	sst s10  }
0x35: {  	s10 =	sld [smem:$0x3FB9];
	_ =	sdelay $0x3  }
0x36: {  	p1 =	seq.s32 s10, $0x1;
	s10 =	sld [smem:$0x3FBA];
	_ =	sdelay $0x3  }
0x37: {  	[smem:$0x3FBA] =	sst s10  }
0x38: {  	s10 =	sld [smem:$0x3FBB]  }
0x39: {  	_ = 	snop;
	(pc) =	sbr.ind lr, $3  }
0x3a: {  	_ = 	snop  }
0x3b: {  	_ = 	snop  }
0x3c: {  	p2 =	seq.s32 s10, $0x1;
	s10 =	sld [smem:$0x3FBA]  }
0x3d: {  	_ =	shalt  }
0x3e: {  	_ =	shalt  }
0x3f: {  	_ =	shalt  }
0x40: {  	_ =	shalt  }
0x41: {  	_ =	shalt  }
0x42: {  	_ =	shalt  }
0x43: {  	_ =	shalt  }
0x44: {  	_ =	shalt  }
0x45: {  	_ =	shalt  }
0x46: {  	_ =	shalt  }
0x47: {  	_ =	shalt  }
0x48: {  	_ =	shalt  }
0x49: {  	_ =	shalt  }
0x4a: {  	_ =	shalt  }
0x4b: {  	_ =	shalt  }
0x4c: {  	_ =	shalt  }
0x4d: {  	_ =	shalt  }
0x4e: {  	_ =	shalt  }
0x4f: {  	_ =	shalt  }
0x50: {  	_ =	shalt  }
0x51: {  	_ =	shalt  }
0x52: {  	_ =	shalt  }
0x53: {  	_ =	shalt  }
0x54: {  	_ =	shalt  }
0x55: {  	_ =	shalt  }
0x56: {  	_ =	shalt  }
0x57: {  	_ =	shalt  }
0x58: {  	_ =	shalt  }
0x59: {  	_ =	shalt  }
0x5a: {  	_ =	shalt  }
0x5b: {  	_ =	shalt  }
0x5c: {  	_ =	shalt  }
0x5d: {  	_ =	shalt  }
0x5e: {  	_ =	shalt  }
0x5f: {  	_ =	shalt  }
0x60: {  	_ =	shalt  }
0x61: {  	_ =	shalt  }
0x62: {  	_ =	shalt  }
0x63: {  	_ =	shalt  }
0x64: {  	_ =	shalt  }
0x65: {  	_ =	shalt  }
0x66: {  	_ =	shalt  }
0x67: {  	_ =	shalt  }
0x68: {  	_ =	shalt  }
0x69: {  	_ =	shalt  }
0x6a: {  	_ =	shalt  }
0x6b: {  	_ =	shalt  }
0x6c: {  	_ =	shalt  }
0x6d: {  	_ =	shalt  }
0x6e: {  	_ =	shalt  }
0x6f: {  	_ =	shalt  }
0x70: {  	_ =	shalt  }
0x71: {  	_ =	shalt  }
0x72: {  	_ =	shalt  }
0x73: {  	_ =	shalt  }
0x74: {  	_ =	shalt  }
0x75: {  	_ =	shalt  }
0x76: {  	_ =	shalt  }
0x77: {  	_ =	shalt  }
0x78: {  	_ =	shalt  }
0x79: {  	_ =	shalt  }
0x7a: {  	_ =	shalt  }
0x7b: {  	_ =	shalt  }
0x7c: {  	_ =	shalt  }
0x7d: {  	_ =	shalt  }
0x7e: {  	_ =	shalt  }
0x7f: {  	_ =	shalt  }
0x80: {  	_ =	shalt  }
0x81: {  	_ =	shalt  }
0x82: {  	_ =	shalt  }
0x83: {  	_ =	shalt  }
0x84: {  	_ =	shalt  }
0x85: {  	_ =	shalt  }
0x86: {  	_ =	shalt  }
0x87: {  	_ =	shalt  }
.Lfunc_end0:
.L_simem_size_0:
called_computation_lowered:
.L_overlay_start_0:
0x88: {  	s2 =	sld [smem:$0x3FD9]  }
0x89: {  	s3 =	sld [smem:$0x3FFE];
	_ =	sdelay $0x1  }
0x8a: {  	s1 =	srdreg.scid  }
0x8b: {  	s0 =	sand.u32 $0x1, s1  }
0x8c: {  	s17 =	sshll.u32 s0, $0xA;
	s2 =	sadd.s32 s3, s2  }
0x8d: {  	s2 =	sadd.s32 s2, s17  }
0x8e: {  	[smem:$0x3FC6] =	sst s2  }
0x8f: {  	_ = 	snop  }
0x90: {  	s2 =	sld [smem:$0x3FC8]  }
0x91: {  	s18 =	sld [smem:$0x3FD0];
	(tm) =	ssettm $0x1  }
0x92: {  	s4 =	sld [smem:$0x3FFB];
	_ =	sdelay $0x3  }
0x93: {  	_ =	strace s4  }
0x94: {  	s4 =	sld [smem:$0x3FFC];
	_ =	sdelay $0x3  }
0x95: {  	_ =	strace s4  }
0x96: {  	s4 =	sld [smem:$0x3FFD];
	_ =	sdelay $0x3  }
0x97: {  	_ =	strace s4  }
0x98: {  	_ =	strace $0x8FFFFFFF  }
0x99: {  	s19 =	sld [smem:$0x3FDB];
	_ =	sdelay $0x1  }
0x9a: {  	s5 =	simm.s32 $_scs_section_size  }
0x9b: {  	s6 =	simm.s32 $_size__tile_overlayer_lowered;
	s7 =	simm.s32 $_tile_overlayer_lowered  }
0x9c: {  	s22 =	simm.s32 $0x1BFF;
	s21 =	sshll.u32 s7, $0x1;
	s4 =	sadd.s32 s5, s19  }
0x9d: {  	s8 =	simm.s32 $0x0;
	s20 =	sshll.u32 s6, $0x1;
	s6 =	sadd.s32 s21, s4  }
0x9e: {  	[timem:s8], [sflag:s22] =	dma.local [hbm:s6], s20  }
0x9f: {  	_ =	swait.ge [sflag:s22], s20  }
0xa0: {  	s5 =	ssub.s32 $0x0, s20;
	[sflag:s22] =	ssyncset.done $0x0  }
0xa1: {  	[sflag:s22] =	ssyncadd.s32 s5;
	_ =	sdelay $0x1  }
0xa2: {  	s23 =	simm.s32 $0x1B8B  }
0xa3: {  	_ =	swait.ge [sflag:s23], $0x1  }
0xa4: {  	[sflag:s23] =	ssyncset.done $0x0  }
0xa5: {  	s25 =	simm.s32 $0x1B8E;
	s24 =	sld [smem:$0x3FFE];
	[sflag:s23] =	ssyncadd.s32 $0xFFFFFFFF  }
0xa6: {  	s26 =	simm.s32 $execute0_lowered;
	[smem:$0x3FD2] =	sst s25  }
0xa7: {  	s6 =	sshll.u32 s26, $0x1;
	_ =	strace $0x80000046;
	[dreg:$0x1] =	wrdreg $0xFFFFFFFF  }
0xa8: {  	s28 =	simm.s32 $_size_execute0_lowered;
	s4 =	sadd.s32 s4, s6;
	[dreg:$0x0] =	wrdreg $0x0  }
0xa9: {  	s6 =	sshll.u32 s28, $0x1;
	[dreg:$0x2] =	wrdreg s4  }
0xaa: {  	[dreg:$0x3] =	wrdreg s6  }
0xab: {  	[dreg:$0x4] =	wrdreg $0xC0  }
0xac: {  	_ =	task [dreg:s8], $0x5FFFF  }
0xad: {  	[dreg:$0x1] =	wrdreg $0xFFFFFFFF  }
0xae: {  	[dreg:$0x0] =	wrdreg $0x60  }
0xaf: {  	[dreg:$0x2] =	wrdreg s2  }
0xb0: {  	[dreg:$0x3] =	wrdreg s24  }
0xb1: {  	[dreg:$0x4] =	wrdreg s18  }
0xb2: {  	[dreg:$0x5] =	wrdreg $0x9  }
0xb3: {  	_ =	task.clear_ibuf [dreg:s8], $0x6FFFF;
	_ =	strace $0x90000046  }
0xb4: {  	s29 =	simm.s32 $0x9;
	_ =	strace $0x80000048  }
0xb5: {  	_ =	swait.ge [sflag:s29], $0x1  }
0xb6: {  	[sflag:s29] =	ssyncadd.s32 $0xFFFFFFFF  }
0xb7: {  	_ =	strace $0x90000048  }
0xb8: {  	_ =	sfence  }
0xb9: {  	s30 =	sld [smem:$0x0];
	_ =	sdelay $0x2  }
0xba: {  	s31 =	sshll.u32 s1, $0xD;
	s1 =	sshrl.u32 s1, $0x2  }
0xbb: {  	s3 =	sand.u32 $0x4000, s31;
	s1 =	sadd.s32 s1, s30  }
0xbc: {  	s0 =	sor.u32 s3, s0;
	s1 =	sshll.u32 s1, $0x11  }
0xbd: {  	s0 =	sor.u32 s1, s0  }
0xbe: {  	s0 =	sadd.s32 $0x8F2B, s0  }
0xbf: {  	[sflag:s0] =	ssyncadd.remote.s32 $0x1  }
0xc0: {  	_ =	sfence.sel $0xFFFF  }
0xc1: {  	[dreg:$0x0] =	wrdreg $0xFFFFFFFF;
	(pc) =	sbr.abs _section_cstart, $3  }
0xc2: {  	[dreg:$0x1] =	wrdreg $0xFFFFFFFF  }
0xc3: {  	_ =	task.clear_ibuf [dreg:s8], $0x2FFFF;
	_ =	strace $0x9FFFFFFF  }
0xc4: {  	(tm) =	ssettm $0x7FFFFFFF  }
0xc5: {  	_ =	shalt  }
tec
execute0_lowered:
.L_overlay_start_1:
0x0: {  	(tag) =	ssettag $0x1  }
0x1: {  	s2 =	rddreg [dreg:$0x0]  }
0x2: {  	s3 =	srdreg.scid;
	s0 =	stileid.u32  }
0x3: {  	s1 =	rddreg [dreg:$0x1];
	s31 =	sand.u32 $0x1, s3;
	s4 =	sshll.u32 s0, $0x1  }
0x4: {  	s30 =	rddreg [dreg:$0x2];
	s3 =	simm.s32 $0x0;
	s23 =	sor.u32 s31, s4  }
0x5: {  	s29 =	sadd.s32 $0x400, s1;
	[smem:$0x7FF] =	sst s3;
	s26 =	sshll.u32 s23, $0x9  }
0x6: {  	s4 =	simm.s32 $0x2;
	_ =	strace $0x80000047;
	s5 =	sadd.s32 s29, s26  }
0x7: {  	[tilespmem:s3], [sflag:$0x2] =	stream.linear.gather [hbm4b:s5+s3], $0x400, $0x38;
	[tilespmem:$0xCC00] =	vst v63  }
0x8: {  	_ =	swait.ge [sflag:s4], $0x400  }
0x9: {  	[sflag:s4] =	ssyncset.done $0x0  }
0xa: {  	s6 =	simm.s32 $0x32;
	s7 =	simm.s32 $0x400;
	[sflag:s4] =	ssyncadd.s32 $0xFFFFFC00  }
0xb: {  	[tilespmem:s7], [sflag:$0x1] =	stream.indirect.gather [hbm4b:s2+s6], $0x80, s3, s6, $0xb8;
	[tilespmem:$0xCC00] =	vst v63  }
0xc: {  	s8 =	simm.s32 $0x80;
	s9 =	simm.s32 $0x1D00  }
0xd: {  	[tilespmem:s9], [sflag:$0x1] =	stream.indirect.gather [hbm4b:s2+s6], $0x80, s8, s6, $0xb8;
	[tilespmem:$0xCC00] =	vst v63  }
0xe: {  	s10 =	simm.s32 $0x100;
	s11 =	simm.s32 $0x3600  }
0xf: {  	[tilespmem:s11], [sflag:$0x1] =	stream.indirect.gather [hbm4b:s2+s6], $0x80, s10, s6, $0xb8;
	[tilespmem:$0xCC00] =	vst v63  }
0x10: {  	s12 =	simm.s32 $0x180;
	s13 =	simm.s32 $0x4F00  }
0x11: {  	[tilespmem:s13], [sflag:$0x1] =	stream.indirect.gather [hbm4b:s2+s6], $0x80, s12, s6, $0xb8;
	[tilespmem:$0xCC00] =	vst v63  }
0x12: {  	s14 =	simm.s32 $0x200;
	s15 =	simm.s32 $0x6800  }
0x13: {  	[tilespmem:s15], [sflag:$0x1] =	stream.indirect.gather [hbm4b:s2+s6], $0x80, s14, s6, $0xb8;
	[tilespmem:$0xCC00] =	vst v63  }
0x14: {  	s16 =	simm.s32 $0x280;
	s17 =	simm.s32 $0x8100  }
0x15: {  	[tilespmem:s17], [sflag:$0x1] =	stream.indirect.gather [hbm4b:s2+s6], $0x80, s16, s6, $0xb8;
	[tilespmem:$0xCC00] =	vst v63  }
0x16: {  	s18 =	simm.s32 $0x300;
	s19 =	simm.s32 $0x9A00  }
0x17: {  	[tilespmem:s19], [sflag:$0x1] =	stream.indirect.gather [hbm4b:s2+s6], $0x80, s18, s6, $0xb8;
	[tilespmem:$0xCC00] =	vst v63  }
0x18: {  	s20 =	simm.s32 $0x380;
	s21 =	simm.s32 $0xB300;
	s22 =	simm.s32 $0x1  }
0x19: {  	[tilespmem:s21], [sflag:$0x1] =	stream.indirect.gather [hbm4b:s2+s6], $0x80, s20, s6, $0xb8;
	[tilespmem:$0xCC00] =	vst v63  }
0x1a: {  	_ =	swait.ge [sflag:s22], $0x1900  }
0x1b: {  	[sflag:s22] =	ssyncset.done $0x0  }
0x1c: {  	[sflag:s22] =	ssyncadd.s32 $0xFFFFE700  }
0x1d: {  	_ =	swait.ge [sflag:s22], $0x1900  }
0x1e: {  	[sflag:s22] =	ssyncset.done $0x0  }
0x1f: {  	[sflag:s22] =	ssyncadd.s32 $0xFFFFE700  }
0x20: {  	_ =	swait.ge [sflag:s22], $0x1900  }
0x21: {  	[sflag:s22] =	ssyncset.done $0x0  }
0x22: {  	[sflag:s22] =	ssyncadd.s32 $0xFFFFE700  }
0x23: {  	_ =	swait.ge [sflag:s22], $0x1900  }
0x24: {  	[sflag:s22] =	ssyncset.done $0x0  }
0x25: {  	[sflag:s22] =	ssyncadd.s32 $0xFFFFE700  }
0x26: {  	_ =	swait.ge [sflag:s22], $0x1900  }
0x27: {  	[sflag:s22] =	ssyncset.done $0x0  }
0x28: {  	[sflag:s22] =	ssyncadd.s32 $0xFFFFE700  }
0x29: {  	_ =	swait.ge [sflag:s22], $0x1900  }
0x2a: {  	[sflag:s22] =	ssyncset.done $0x0  }
0x2b: {  	[sflag:s22] =	ssyncadd.s32 $0xFFFFE700  }
0x2c: {  	_ =	swait.ge [sflag:s22], $0x1900  }
0x2d: {  	[sflag:s22] =	ssyncset.done $0x0  }
0x2e: {  	[sflag:s22] =	ssyncadd.s32 $0xFFFFE700  }
0x2f: {  	s24 =	smul.u32 $0x6400, s23;
	_ =	swait.ge [sflag:s22], $0x1900  }
0x30: {  	[sflag:s22] =	ssyncset.done $0x0  }
0x31: {  	s0 =	sshll.u32 s23, $0x5;
	s23 =	sadd.s32 s30, s24;
	[sflag:s22] =	ssyncadd.s32 $0xFFFFE700  }
0x32: {  	[hbm4b:s23+s3] =	stream.linear.scatter [tilespmem:s7], [sflag:$0x2], $0xC800, $0x38;
	[tilespmem:$0xCC00] =	vst v63  }
0x33: {  	s25 =	sor.u32 $0x8, s0;
	_ =	swait.ge [sflag:s4], $0xC800  }
0x34: {  	s26 =	sshll.u32 s25, $0x4;
	[sflag:s4] =	ssyncset.done $0x0  }
0x35: {  	s24 =	sadd.s32 s29, s26;
	[sflag:s4] =	ssyncadd.s32 $0xFFFF3800  }
0x36: {  	[tilespmem:s3], [sflag:$0x2] =	stream.linear.gather [hbm4b:s24+s3], $0x400, $0x38;
	[tilespmem:$0xCC00] =	vst v63  }
0x37: {  	_ =	swait.ge [sflag:s4], $0x400  }
0x38: {  	[sflag:s4] =	ssyncset.done $0x0  }
0x39: {  	[sflag:s4] =	ssyncadd.s32 $0xFFFFFC00  }
0x3a: {  	[tilespmem:s7], [sflag:$0x1] =	stream.indirect.gather [hbm4b:s2+s6], $0x80, s3, s6, $0xb8;
	[tilespmem:$0xCC00] =	vst v63  }
0x3b: {  	_ = 	snop  }
0x3c: {  	[tilespmem:s9], [sflag:$0x1] =	stream.indirect.gather [hbm4b:s2+s6], $0x80, s8, s6, $0xb8;
	[tilespmem:$0xCC00] =	vst v63  }
0x3d: {  	_ = 	snop  }
0x3e: {  	[tilespmem:s11], [sflag:$0x1] =	stream.indirect.gather [hbm4b:s2+s6], $0x80, s10, s6, $0xb8;
	[tilespmem:$0xCC00] =	vst v63  }
0x3f: {  	_ = 	snop  }
0x40: {  	[tilespmem:s13], [sflag:$0x1] =	stream.indirect.gather [hbm4b:s2+s6], $0x80, s12, s6, $0xb8;
	[tilespmem:$0xCC00] =	vst v63  }
0x41: {  	_ = 	snop  }
0x42: {  	[tilespmem:s15], [sflag:$0x1] =	stream.indirect.gather [hbm4b:s2+s6], $0x80, s14, s6, $0xb8;
	[tilespmem:$0xCC00] =	vst v63  }
0x43: {  	_ = 	snop  }
0x44: {  	[tilespmem:s17], [sflag:$0x1] =	stream.indirect.gather [hbm4b:s2+s6], $0x80, s16, s6, $0xb8;
	[tilespmem:$0xCC00] =	vst v63  }
0x45: {  	_ = 	snop  }
0x46: {  	[tilespmem:s19], [sflag:$0x1] =	stream.indirect.gather [hbm4b:s2+s6], $0x80, s18, s6, $0xb8;
	[tilespmem:$0xCC00] =	vst v63  }
0x47: {  	_ = 	snop  }
0x48: {  	[tilespmem:s21], [sflag:$0x1] =	stream.indirect.gather [hbm4b:s2+s6], $0x80, s20, s6, $0xb8;
	[tilespmem:$0xCC00] =	vst v63  }
0x49: {  	_ =	swait.ge [sflag:s22], $0x1900  }
0x4a: {  	[sflag:s22] =	ssyncset.done $0x0  }
0x4b: {  	[sflag:s22] =	ssyncadd.s32 $0xFFFFE700  }
0x4c: {  	_ =	swait.ge [sflag:s22], $0x1900  }
0x4d: {  	[sflag:s22] =	ssyncset.done $0x0  }
0x4e: {  	[sflag:s22] =	ssyncadd.s32 $0xFFFFE700  }
0x4f: {  	_ =	swait.ge [sflag:s22], $0x1900  }
0x50: {  	[sflag:s22] =	ssyncset.done $0x0  }
0x51: {  	[sflag:s22] =	ssyncadd.s32 $0xFFFFE700  }
0x52: {  	_ =	swait.ge [sflag:s22], $0x1900  }
0x53: {  	[sflag:s22] =	ssyncset.done $0x0  }
0x54: {  	[sflag:s22] =	ssyncadd.s32 $0xFFFFE700  }
0x55: {  	_ =	swait.ge [sflag:s22], $0x1900  }
0x56: {  	[sflag:s22] =	ssyncset.done $0x0  }
0x57: {  	[sflag:s22] =	ssyncadd.s32 $0xFFFFE700  }
0x58: {  	_ =	swait.ge [sflag:s22], $0x1900  }
0x59: {  	[sflag:s22] =	ssyncset.done $0x0  }
0x5a: {  	[sflag:s22] =	ssyncadd.s32 $0xFFFFE700  }
0x5b: {  	_ =	swait.ge [sflag:s22], $0x1900  }
0x5c: {  	[sflag:s22] =	ssyncset.done $0x0  }
0x5d: {  	[sflag:s22] =	ssyncadd.s32 $0xFFFFE700  }
0x5e: {  	s25 =	smul.u32 $0x320, s25;
	_ =	swait.ge [sflag:s22], $0x1900  }
0x5f: {  	[sflag:s22] =	ssyncset.done $0x0  }
0x60: {  	s25 =	sadd.s32 s30, s25;
	[sflag:s22] =	ssyncadd.s32 $0xFFFFE700  }
0x61: {  	[hbm4b:s25+s3] =	stream.linear.scatter [tilespmem:s7], [sflag:$0x2], $0xC800, $0x38;
	[tilespmem:$0xCC00] =	vst v63  }
0x62: {  	s28 =	sor.u32 $0x10, s0;
	_ =	swait.ge [sflag:s4], $0xC800  }
0x63: {  	s26 =	sshll.u32 s28, $0x4;
	[sflag:s4] =	ssyncset.done $0x0  }
0x64: {  	s26 =	sadd.s32 s29, s26;
	[sflag:s4] =	ssyncadd.s32 $0xFFFF3800  }
0x65: {  	[tilespmem:s3], [sflag:$0x2] =	stream.linear.gather [hbm4b:s26+s3], $0x400, $0x38;
	[tilespmem:$0xCC00] =	vst v63  }
0x66: {  	_ =	swait.ge [sflag:s4], $0x400  }
0x67: {  	[sflag:s4] =	ssyncset.done $0x0  }
0x68: {  	[sflag:s4] =	ssyncadd.s32 $0xFFFFFC00  }
0x69: {  	[tilespmem:s7], [sflag:$0x1] =	stream.indirect.gather [hbm4b:s2+s6], $0x80, s3, s6, $0xb8;
	[tilespmem:$0xCC00] =	vst v63  }
0x6a: {  	_ = 	snop  }
0x6b: {  	[tilespmem:s9], [sflag:$0x1] =	stream.indirect.gather [hbm4b:s2+s6], $0x80, s8, s6, $0xb8;
	[tilespmem:$0xCC00] =	vst v63  }
0x6c: {  	_ = 	snop  }
0x6d: {  	[tilespmem:s11], [sflag:$0x1] =	stream.indirect.gather [hbm4b:s2+s6], $0x80, s10, s6, $0xb8;
	[tilespmem:$0xCC00] =	vst v63  }
0x6e: {  	_ = 	snop  }
0x6f: {  	[tilespmem:s13], [sflag:$0x1] =	stream.indirect.gather [hbm4b:s2+s6], $0x80, s12, s6, $0xb8;
	[tilespmem:$0xCC00] =	vst v63  }
0x70: {  	_ = 	snop  }
0x71: {  	[tilespmem:s15], [sflag:$0x1] =	stream.indirect.gather [hbm4b:s2+s6], $0x80, s14, s6, $0xb8;
	[tilespmem:$0xCC00] =	vst v63  }
0x72: {  	_ = 	snop  }
0x73: {  	[tilespmem:s17], [sflag:$0x1] =	stream.indirect.gather [hbm4b:s2+s6], $0x80, s16, s6, $0xb8;
	[tilespmem:$0xCC00] =	vst v63  }
0x74: {  	_ = 	snop  }
0x75: {  	[tilespmem:s19], [sflag:$0x1] =	stream.indirect.gather [hbm4b:s2+s6], $0x80, s18, s6, $0xb8;
	[tilespmem:$0xCC00] =	vst v63  }
0x76: {  	_ = 	snop  }
0x77: {  	[tilespmem:s21], [sflag:$0x1] =	stream.indirect.gather [hbm4b:s2+s6], $0x80, s20, s6, $0xb8;
	[tilespmem:$0xCC00] =	vst v63  }
0x78: {  	_ =	swait.ge [sflag:s22], $0x1900  }
0x79: {  	[sflag:s22] =	ssyncset.done $0x0  }
0x7a: {  	[sflag:s22] =	ssyncadd.s32 $0xFFFFE700  }
0x7b: {  	_ =	swait.ge [sflag:s22], $0x1900  }
0x7c: {  	[sflag:s22] =	ssyncset.done $0x0  }
0x7d: {  	[sflag:s22] =	ssyncadd.s32 $0xFFFFE700  }
0x7e: {  	_ =	swait.ge [sflag:s22], $0x1900  }
0x7f: {  	[sflag:s22] =	ssyncset.done $0x0  }
0x80: {  	[sflag:s22] =	ssyncadd.s32 $0xFFFFE700  }
0x81: {  	_ =	swait.ge [sflag:s22], $0x1900  }
0x82: {  	[sflag:s22] =	ssyncset.done $0x0  }
0x83: {  	[sflag:s22] =	ssyncadd.s32 $0xFFFFE700  }
0x84: {  	_ =	swait.ge [sflag:s22], $0x1900  }
0x85: {  	[sflag:s22] =	ssyncset.done $0x0  }
0x86: {  	[sflag:s22] =	ssyncadd.s32 $0xFFFFE700  }
0x87: {  	_ =	swait.ge [sflag:s22], $0x1900  }
0x88: {  	[sflag:s22] =	ssyncset.done $0x0  }
0x89: {  	[sflag:s22] =	ssyncadd.s32 $0xFFFFE700  }
0x8a: {  	_ =	swait.ge [sflag:s22], $0x1900  }
0x8b: {  	[sflag:s22] =	ssyncset.done $0x0  }
0x8c: {  	[sflag:s22] =	ssyncadd.s32 $0xFFFFE700  }
0x8d: {  	s28 =	smul.u32 $0x320, s28;
	_ =	swait.ge [sflag:s22], $0x1900  }
0x8e: {  	[sflag:s22] =	ssyncset.done $0x0  }
0x8f: {  	s28 =	sadd.s32 s30, s28;
	[sflag:s22] =	ssyncadd.s32 $0xFFFFE700  }
0x90: {  	[hbm4b:s28+s3] =	stream.linear.scatter [tilespmem:s7], [sflag:$0x2], $0xC800, $0x38;
	[tilespmem:$0xCC00] =	vst v63  }
0x91: {  	s1 =	sor.u32 $0x18, s0;
	_ =	swait.ge [sflag:s4], $0xC800  }
0x92: {  	s0 =	sshll.u32 s1, $0x4;
	[sflag:s4] =	ssyncset.done $0x0  }
0x93: {  	s29 =	sadd.s32 s29, s0;
	[sflag:s4] =	ssyncadd.s32 $0xFFFF3800  }
0x94: {  	[tilespmem:s3], [sflag:$0x2] =	stream.linear.gather [hbm4b:s29+s3], $0x400, $0x38;
	[tilespmem:$0xCC00] =	vst v63  }
0x95: {  	_ =	swait.ge [sflag:s4], $0x400  }
0x96: {  	[sflag:s4] =	ssyncset.done $0x0  }
0x97: {  	[sflag:s4] =	ssyncadd.s32 $0xFFFFFC00  }
0x98: {  	[tilespmem:s7], [sflag:$0x1] =	stream.indirect.gather [hbm4b:s2+s6], $0x80, s3, s6, $0xb8;
	[tilespmem:$0xCC00] =	vst v63  }
0x99: {  	_ = 	snop  }
0x9a: {  	[tilespmem:s9], [sflag:$0x1] =	stream.indirect.gather [hbm4b:s2+s6], $0x80, s8, s6, $0xb8;
	[tilespmem:$0xCC00] =	vst v63  }
0x9b: {  	_ = 	snop  }
0x9c: {  	[tilespmem:s11], [sflag:$0x1] =	stream.indirect.gather [hbm4b:s2+s6], $0x80, s10, s6, $0xb8;
	[tilespmem:$0xCC00] =	vst v63  }
0x9d: {  	_ = 	snop  }
0x9e: {  	[tilespmem:s13], [sflag:$0x1] =	stream.indirect.gather [hbm4b:s2+s6], $0x80, s12, s6, $0xb8;
	[tilespmem:$0xCC00] =	vst v63  }
0x9f: {  	_ = 	snop  }
0xa0: {  	[tilespmem:s15], [sflag:$0x1] =	stream.indirect.gather [hbm4b:s2+s6], $0x80, s14, s6, $0xb8;
	[tilespmem:$0xCC00] =	vst v63  }
0xa1: {  	_ = 	snop  }
0xa2: {  	[tilespmem:s17], [sflag:$0x1] =	stream.indirect.gather [hbm4b:s2+s6], $0x80, s16, s6, $0xb8;
	[tilespmem:$0xCC00] =	vst v63  }
0xa3: {  	_ = 	snop  }
0xa4: {  	[tilespmem:s19], [sflag:$0x1] =	stream.indirect.gather [hbm4b:s2+s6], $0x80, s18, s6, $0xb8;
	[tilespmem:$0xCC00] =	vst v63  }
0xa5: {  	_ = 	snop  }
0xa6: {  	[tilespmem:s21], [sflag:$0x1] =	stream.indirect.gather [hbm4b:s2+s6], $0x80, s20, s6, $0xb8;
	[tilespmem:$0xCC00] =	vst v63  }
0xa7: {  	_ =	swait.ge [sflag:s22], $0x1900  }
0xa8: {  	[sflag:s22] =	ssyncset.done $0x0  }
0xa9: {  	[sflag:s22] =	ssyncadd.s32 $0xFFFFE700  }
0xaa: {  	_ =	swait.ge [sflag:s22], $0x1900  }
0xab: {  	[sflag:s22] =	ssyncset.done $0x0  }
0xac: {  	[sflag:s22] =	ssyncadd.s32 $0xFFFFE700  }
0xad: {  	_ =	swait.ge [sflag:s22], $0x1900  }
0xae: {  	[sflag:s22] =	ssyncset.done $0x0  }
0xaf: {  	[sflag:s22] =	ssyncadd.s32 $0xFFFFE700  }
0xb0: {  	_ =	swait.ge [sflag:s22], $0x1900  }
0xb1: {  	[sflag:s22] =	ssyncset.done $0x0  }
0xb2: {  	[sflag:s22] =	ssyncadd.s32 $0xFFFFE700  }
0xb3: {  	_ =	swait.ge [sflag:s22], $0x1900  }
0xb4: {  	[sflag:s22] =	ssyncset.done $0x0  }
0xb5: {  	[sflag:s22] =	ssyncadd.s32 $0xFFFFE700  }
0xb6: {  	_ =	swait.ge [sflag:s22], $0x1900  }
0xb7: {  	[sflag:s22] =	ssyncset.done $0x0  }
0xb8: {  	s0 =	ssub.s32 $0x2, s31;
	[sflag:s22] =	ssyncadd.s32 $0xFFFFE700  }
0xb9: {  	s31 =	sshrl.u32 s0, $0x1;
	_ =	swait.ge [sflag:s22], $0x1900  }
0xba: {  	s0 =	ssub.s32 s0, s31;
	[sflag:s22] =	ssyncset.done $0x0  }
0xbb: {  	s0 =	smax.u32 s0, $0x1;
	[sflag:s22] =	ssyncadd.s32 $0xFFFFE700  }
0xbc: {  	s1 =	smul.u32 $0x320, s1;
	p0 =	sne.s32 s0, $0x1;
	_ =	swait.ge [sflag:s22], $0x1900  }
.Ltmp0:
0xbd: {  	[sflag:s22] =	ssyncset.done $0x0;
	(pc) =	sbr.rel @!p0 .LBB2_2-.Ltmp0, $4  }
0xbe: {  	s30 =	sadd.s32 s30, s1;
	[sflag:s22] =	ssyncadd.s32 $0xFFFFE700  }
0xbf: {  	[hbm4b:s30+s3] =	stream.linear.scatter [tilespmem:s7], [sflag:$0x2], $0xC800, $0x38;
	[tilespmem:$0xCC00] =	vst v63  }
0xc0: {  	_ =	swait.ge [sflag:s4], $0xC800  }
0xc1: {  	s31 =	sadd.s32 $0xFFFFFFFF, s0;
	[sflag:s4] =	ssyncset.done $0x0  }
.LBB2_1:
0xc2: {  	p0 =	sne.s32 s31, $0x1;
	s31 =	sadd.s32 $0xFFFFFFFF, s31;
	[sflag:s4] =	ssyncadd.s32 $0xFFFF3800  }
0xc3: {  	[tilespmem:s3], [sflag:$0x2] =	stream.linear.gather [hbm4b:s5+s3], $0x400, $0x38;
	[tilespmem:$0xCC00] =	vst v63  }
0xc4: {  	_ =	swait.ge [sflag:s4], $0x400  }
0xc5: {  	[sflag:s4] =	ssyncset.done $0x0  }
0xc6: {  	[sflag:s4] =	ssyncadd.s32 $0xFFFFFC00  }
0xc7: {  	[tilespmem:s7], [sflag:$0x1] =	stream.indirect.gather [hbm4b:s2+s6], $0x80, s3, s6, $0xb8;
	[tilespmem:$0xCC00] =	vst v63  }
0xc8: {  	_ = 	snop  }
0xc9: {  	[tilespmem:s9], [sflag:$0x1] =	stream.indirect.gather [hbm4b:s2+s6], $0x80, s8, s6, $0xb8;
	[tilespmem:$0xCC00] =	vst v63  }
0xca: {  	_ = 	snop  }
0xcb: {  	[tilespmem:s11], [sflag:$0x1] =	stream.indirect.gather [hbm4b:s2+s6], $0x80, s10, s6, $0xb8;
	[tilespmem:$0xCC00] =	vst v63  }
0xcc: {  	_ = 	snop  }
0xcd: {  	[tilespmem:s13], [sflag:$0x1] =	stream.indirect.gather [hbm4b:s2+s6], $0x80, s12, s6, $0xb8;
	[tilespmem:$0xCC00] =	vst v63  }
0xce: {  	_ = 	snop  }
0xcf: {  	[tilespmem:s15], [sflag:$0x1] =	stream.indirect.gather [hbm4b:s2+s6], $0x80, s14, s6, $0xb8;
	[tilespmem:$0xCC00] =	vst v63  }
0xd0: {  	_ = 	snop  }
0xd1: {  	[tilespmem:s17], [sflag:$0x1] =	stream.indirect.gather [hbm4b:s2+s6], $0x80, s16, s6, $0xb8;
	[tilespmem:$0xCC00] =	vst v63  }
0xd2: {  	_ = 	snop  }
0xd3: {  	[tilespmem:s19], [sflag:$0x1] =	stream.indirect.gather [hbm4b:s2+s6], $0x80, s18, s6, $0xb8;
	[tilespmem:$0xCC00] =	vst v63  }
0xd4: {  	_ = 	snop  }
0xd5: {  	[tilespmem:s21], [sflag:$0x1] =	stream.indirect.gather [hbm4b:s2+s6], $0x80, s20, s6, $0xb8;
	[tilespmem:$0xCC00] =	vst v63  }
0xd6: {  	_ =	swait.ge [sflag:s22], $0x1900  }
0xd7: {  	[sflag:s22] =	ssyncset.done $0x0  }
0xd8: {  	[sflag:s22] =	ssyncadd.s32 $0xFFFFE700  }
0xd9: {  	_ =	swait.ge [sflag:s22], $0x1900  }
0xda: {  	[sflag:s22] =	ssyncset.done $0x0  }
0xdb: {  	[sflag:s22] =	ssyncadd.s32 $0xFFFFE700  }
0xdc: {  	_ =	swait.ge [sflag:s22], $0x1900  }
0xdd: {  	[sflag:s22] =	ssyncset.done $0x0  }
0xde: {  	[sflag:s22] =	ssyncadd.s32 $0xFFFFE700  }
0xdf: {  	_ =	swait.ge [sflag:s22], $0x1900  }
0xe0: {  	[sflag:s22] =	ssyncset.done $0x0  }
0xe1: {  	[sflag:s22] =	ssyncadd.s32 $0xFFFFE700  }
0xe2: {  	_ =	swait.ge [sflag:s22], $0x1900  }
0xe3: {  	[sflag:s22] =	ssyncset.done $0x0  }
0xe4: {  	[sflag:s22] =	ssyncadd.s32 $0xFFFFE700  }
0xe5: {  	_ =	swait.ge [sflag:s22], $0x1900  }
0xe6: {  	[sflag:s22] =	ssyncset.done $0x0  }
0xe7: {  	[sflag:s22] =	ssyncadd.s32 $0xFFFFE700  }
0xe8: {  	_ =	swait.ge [sflag:s22], $0x1900  }
0xe9: {  	[sflag:s22] =	ssyncset.done $0x0  }
0xea: {  	[sflag:s22] =	ssyncadd.s32 $0xFFFFE700  }
0xeb: {  	_ =	swait.ge [sflag:s22], $0x1900  }
0xec: {  	[sflag:s22] =	ssyncset.done $0x0  }
0xed: {  	[sflag:s22] =	ssyncadd.s32 $0xFFFFE700  }
0xee: {  	[hbm4b:s23+s3] =	stream.linear.scatter [tilespmem:s7], [sflag:$0x2], $0xC800, $0x38;
	[tilespmem:$0xCC00] =	vst v63  }
0xef: {  	_ =	swait.ge [sflag:s4], $0xC800  }
0xf0: {  	[sflag:s4] =	ssyncset.done $0x0  }
0xf1: {  	[sflag:s4] =	ssyncadd.s32 $0xFFFF3800  }
0xf2: {  	[tilespmem:s3], [sflag:$0x2] =	stream.linear.gather [hbm4b:s24+s3], $0x400, $0x38;
	[tilespmem:$0xCC00] =	vst v63  }
0xf3: {  	_ =	swait.ge [sflag:s4], $0x400  }
0xf4: {  	[sflag:s4] =	ssyncset.done $0x0  }
0xf5: {  	[sflag:s4] =	ssyncadd.s32 $0xFFFFFC00  }
0xf6: {  	[tilespmem:s7], [sflag:$0x1] =	stream.indirect.gather [hbm4b:s2+s6], $0x80, s3, s6, $0xb8;
	[tilespmem:$0xCC00] =	vst v63  }
0xf7: {  	_ = 	snop  }
0xf8: {  	[tilespmem:s9], [sflag:$0x1] =	stream.indirect.gather [hbm4b:s2+s6], $0x80, s8, s6, $0xb8;
	[tilespmem:$0xCC00] =	vst v63  }
0xf9: {  	_ = 	snop  }
0xfa: {  	[tilespmem:s11], [sflag:$0x1] =	stream.indirect.gather [hbm4b:s2+s6], $0x80, s10, s6, $0xb8;
	[tilespmem:$0xCC00] =	vst v63  }
0xfb: {  	_ = 	snop  }
0xfc: {  	[tilespmem:s13], [sflag:$0x1] =	stream.indirect.gather [hbm4b:s2+s6], $0x80, s12, s6, $0xb8;
	[tilespmem:$0xCC00] =	vst v63  }
0xfd: {  	_ = 	snop  }
0xfe: {  	[tilespmem:s15], [sflag:$0x1] =	stream.indirect.gather [hbm4b:s2+s6], $0x80, s14, s6, $0xb8;
	[tilespmem:$0xCC00] =	vst v63  }
0xff: {  	_ = 	snop  }
0x100: {  	[tilespmem:s17], [sflag:$0x1] =	stream.indirect.gather [hbm4b:s2+s6], $0x80, s16, s6, $0xb8;
	[tilespmem:$0xCC00] =	vst v63  }
0x101: {  	_ = 	snop  }
0x102: {  	[tilespmem:s19], [sflag:$0x1] =	stream.indirect.gather [hbm4b:s2+s6], $0x80, s18, s6, $0xb8;
	[tilespmem:$0xCC00] =	vst v63  }
0x103: {  	_ = 	snop  }
0x104: {  	[tilespmem:s21], [sflag:$0x1] =	stream.indirect.gather [hbm4b:s2+s6], $0x80, s20, s6, $0xb8;
	[tilespmem:$0xCC00] =	vst v63  }
0x105: {  	_ =	swait.ge [sflag:s22], $0x1900  }
0x106: {  	[sflag:s22] =	ssyncset.done $0x0  }
0x107: {  	[sflag:s22] =	ssyncadd.s32 $0xFFFFE700  }
0x108: {  	_ =	swait.ge [sflag:s22], $0x1900  }
0x109: {  	[sflag:s22] =	ssyncset.done $0x0  }
0x10a: {  	[sflag:s22] =	ssyncadd.s32 $0xFFFFE700  }
0x10b: {  	_ =	swait.ge [sflag:s22], $0x1900  }
0x10c: {  	[sflag:s22] =	ssyncset.done $0x0  }
0x10d: {  	[sflag:s22] =	ssyncadd.s32 $0xFFFFE700  }
0x10e: {  	_ =	swait.ge [sflag:s22], $0x1900  }
0x10f: {  	[sflag:s22] =	ssyncset.done $0x0  }
0x110: {  	[sflag:s22] =	ssyncadd.s32 $0xFFFFE700  }
0x111: {  	_ =	swait.ge [sflag:s22], $0x1900  }
0x112: {  	[sflag:s22] =	ssyncset.done $0x0  }
0x113: {  	[sflag:s22] =	ssyncadd.s32 $0xFFFFE700  }
0x114: {  	_ =	swait.ge [sflag:s22], $0x1900  }
0x115: {  	[sflag:s22] =	ssyncset.done $0x0  }
0x116: {  	[sflag:s22] =	ssyncadd.s32 $0xFFFFE700  }
0x117: {  	_ =	swait.ge [sflag:s22], $0x1900  }
0x118: {  	[sflag:s22] =	ssyncset.done $0x0  }
0x119: {  	[sflag:s22] =	ssyncadd.s32 $0xFFFFE700  }
0x11a: {  	_ =	swait.ge [sflag:s22], $0x1900  }
0x11b: {  	[sflag:s22] =	ssyncset.done $0x0  }
0x11c: {  	[sflag:s22] =	ssyncadd.s32 $0xFFFFE700  }
0x11d: {  	[hbm4b:s25+s3] =	stream.linear.scatter [tilespmem:s7], [sflag:$0x2], $0xC800, $0x38;
	[tilespmem:$0xCC00] =	vst v63  }
0x11e: {  	_ =	swait.ge [sflag:s4], $0xC800  }
0x11f: {  	[sflag:s4] =	ssyncset.done $0x0  }
0x120: {  	[sflag:s4] =	ssyncadd.s32 $0xFFFF3800  }
0x121: {  	[tilespmem:s3], [sflag:$0x2] =	stream.linear.gather [hbm4b:s26+s3], $0x400, $0x38;
	[tilespmem:$0xCC00] =	vst v63  }
0x122: {  	_ =	swait.ge [sflag:s4], $0x400  }
0x123: {  	[sflag:s4] =	ssyncset.done $0x0  }
0x124: {  	[sflag:s4] =	ssyncadd.s32 $0xFFFFFC00  }
0x125: {  	[tilespmem:s7], [sflag:$0x1] =	stream.indirect.gather [hbm4b:s2+s6], $0x80, s3, s6, $0xb8;
	[tilespmem:$0xCC00] =	vst v63  }
0x126: {  	_ = 	snop  }
0x127: {  	[tilespmem:s9], [sflag:$0x1] =	stream.indirect.gather [hbm4b:s2+s6], $0x80, s8, s6, $0xb8;
	[tilespmem:$0xCC00] =	vst v63  }
0x128: {  	_ = 	snop  }
0x129: {  	[tilespmem:s11], [sflag:$0x1] =	stream.indirect.gather [hbm4b:s2+s6], $0x80, s10, s6, $0xb8;
	[tilespmem:$0xCC00] =	vst v63  }
0x12a: {  	_ = 	snop  }
0x12b: {  	[tilespmem:s13], [sflag:$0x1] =	stream.indirect.gather [hbm4b:s2+s6], $0x80, s12, s6, $0xb8;
	[tilespmem:$0xCC00] =	vst v63  }
0x12c: {  	_ = 	snop  }
0x12d: {  	[tilespmem:s15], [sflag:$0x1] =	stream.indirect.gather [hbm4b:s2+s6], $0x80, s14, s6, $0xb8;
	[tilespmem:$0xCC00] =	vst v63  }
0x12e: {  	_ = 	snop  }
0x12f: {  	[tilespmem:s17], [sflag:$0x1] =	stream.indirect.gather [hbm4b:s2+s6], $0x80, s16, s6, $0xb8;
	[tilespmem:$0xCC00] =	vst v63  }
0x130: {  	_ = 	snop  }
0x131: {  	[tilespmem:s19], [sflag:$0x1] =	stream.indirect.gather [hbm4b:s2+s6], $0x80, s18, s6, $0xb8;
	[tilespmem:$0xCC00] =	vst v63  }
0x132: {  	_ = 	snop  }
0x133: {  	[tilespmem:s21], [sflag:$0x1] =	stream.indirect.gather [hbm4b:s2+s6], $0x80, s20, s6, $0xb8;
	[tilespmem:$0xCC00] =	vst v63  }
0x134: {  	_ =	swait.ge [sflag:s22], $0x1900  }
0x135: {  	[sflag:s22] =	ssyncset.done $0x0  }
0x136: {  	[sflag:s22] =	ssyncadd.s32 $0xFFFFE700  }
0x137: {  	_ =	swait.ge [sflag:s22], $0x1900  }
0x138: {  	[sflag:s22] =	ssyncset.done $0x0  }
0x139: {  	[sflag:s22] =	ssyncadd.s32 $0xFFFFE700  }
0x13a: {  	_ =	swait.ge [sflag:s22], $0x1900  }
0x13b: {  	[sflag:s22] =	ssyncset.done $0x0  }
0x13c: {  	[sflag:s22] =	ssyncadd.s32 $0xFFFFE700  }
0x13d: {  	_ =	swait.ge [sflag:s22], $0x1900  }
0x13e: {  	[sflag:s22] =	ssyncset.done $0x0  }
0x13f: {  	[sflag:s22] =	ssyncadd.s32 $0xFFFFE700  }
0x140: {  	_ =	swait.ge [sflag:s22], $0x1900  }
0x141: {  	[sflag:s22] =	ssyncset.done $0x0  }
0x142: {  	[sflag:s22] =	ssyncadd.s32 $0xFFFFE700  }
0x143: {  	_ =	swait.ge [sflag:s22], $0x1900  }
0x144: {  	[sflag:s22] =	ssyncset.done $0x0  }
0x145: {  	[sflag:s22] =	ssyncadd.s32 $0xFFFFE700  }
0x146: {  	_ =	swait.ge [sflag:s22], $0x1900  }
0x147: {  	[sflag:s22] =	ssyncset.done $0x0  }
0x148: {  	[sflag:s22] =	ssyncadd.s32 $0xFFFFE700  }
0x149: {  	_ =	swait.ge [sflag:s22], $0x1900  }
0x14a: {  	[sflag:s22] =	ssyncset.done $0x0  }
0x14b: {  	[sflag:s22] =	ssyncadd.s32 $0xFFFFE700  }
0x14c: {  	[hbm4b:s28+s3] =	stream.linear.scatter [tilespmem:s7], [sflag:$0x2], $0xC800, $0x38;
	[tilespmem:$0xCC00] =	vst v63  }
0x14d: {  	_ =	swait.ge [sflag:s4], $0xC800  }
0x14e: {  	[sflag:s4] =	ssyncset.done $0x0  }
0x14f: {  	[sflag:s4] =	ssyncadd.s32 $0xFFFF3800  }
0x150: {  	[tilespmem:s3], [sflag:$0x2] =	stream.linear.gather [hbm4b:s29+s3], $0x400, $0x38;
	[tilespmem:$0xCC00] =	vst v63  }
0x151: {  	_ =	swait.ge [sflag:s4], $0x400  }
0x152: {  	[sflag:s4] =	ssyncset.done $0x0  }
0x153: {  	[sflag:s4] =	ssyncadd.s32 $0xFFFFFC00  }
0x154: {  	[tilespmem:s7], [sflag:$0x1] =	stream.indirect.gather [hbm4b:s2+s6], $0x80, s3, s6, $0xb8;
	[tilespmem:$0xCC00] =	vst v63  }
0x155: {  	_ = 	snop  }
0x156: {  	[tilespmem:s9], [sflag:$0x1] =	stream.indirect.gather [hbm4b:s2+s6], $0x80, s8, s6, $0xb8;
	[tilespmem:$0xCC00] =	vst v63  }
0x157: {  	_ = 	snop  }
0x158: {  	[tilespmem:s11], [sflag:$0x1] =	stream.indirect.gather [hbm4b:s2+s6], $0x80, s10, s6, $0xb8;
	[tilespmem:$0xCC00] =	vst v63  }
0x159: {  	_ = 	snop  }
0x15a: {  	[tilespmem:s13], [sflag:$0x1] =	stream.indirect.gather [hbm4b:s2+s6], $0x80, s12, s6, $0xb8;
	[tilespmem:$0xCC00] =	vst v63  }
0x15b: {  	_ = 	snop  }
0x15c: {  	[tilespmem:s15], [sflag:$0x1] =	stream.indirect.gather [hbm4b:s2+s6], $0x80, s14, s6, $0xb8;
	[tilespmem:$0xCC00] =	vst v63  }
0x15d: {  	_ = 	snop  }
0x15e: {  	[tilespmem:s17], [sflag:$0x1] =	stream.indirect.gather [hbm4b:s2+s6], $0x80, s16, s6, $0xb8;
	[tilespmem:$0xCC00] =	vst v63  }
0x15f: {  	_ = 	snop  }
0x160: {  	[tilespmem:s19], [sflag:$0x1] =	stream.indirect.gather [hbm4b:s2+s6], $0x80, s18, s6, $0xb8;
	[tilespmem:$0xCC00] =	vst v63  }
0x161: {  	_ = 	snop  }
0x162: {  	[tilespmem:s21], [sflag:$0x1] =	stream.indirect.gather [hbm4b:s2+s6], $0x80, s20, s6, $0xb8;
	[tilespmem:$0xCC00] =	vst v63  }
0x163: {  	_ =	swait.ge [sflag:s22], $0x1900  }
0x164: {  	[sflag:s22] =	ssyncset.done $0x0  }
0x165: {  	[sflag:s22] =	ssyncadd.s32 $0xFFFFE700  }
0x166: {  	_ =	swait.ge [sflag:s22], $0x1900  }
0x167: {  	[sflag:s22] =	ssyncset.done $0x0  }
0x168: {  	[sflag:s22] =	ssyncadd.s32 $0xFFFFE700  }
0x169: {  	_ =	swait.ge [sflag:s22], $0x1900  }
0x16a: {  	[sflag:s22] =	ssyncset.done $0x0  }
0x16b: {  	[sflag:s22] =	ssyncadd.s32 $0xFFFFE700  }
0x16c: {  	_ =	swait.ge [sflag:s22], $0x1900  }
0x16d: {  	[sflag:s22] =	ssyncset.done $0x0  }
0x16e: {  	[sflag:s22] =	ssyncadd.s32 $0xFFFFE700  }
0x16f: {  	_ =	swait.ge [sflag:s22], $0x1900  }
0x170: {  	[sflag:s22] =	ssyncset.done $0x0  }
0x171: {  	[sflag:s22] =	ssyncadd.s32 $0xFFFFE700  }
0x172: {  	_ =	swait.ge [sflag:s22], $0x1900  }
0x173: {  	[sflag:s22] =	ssyncset.done $0x0  }
0x174: {  	[sflag:s22] =	ssyncadd.s32 $0xFFFFE700  }
0x175: {  	_ =	swait.ge [sflag:s22], $0x1900  }
0x176: {  	[sflag:s22] =	ssyncset.done $0x0  }
0x177: {  	[sflag:s22] =	ssyncadd.s32 $0xFFFFE700  }
0x178: {  	_ =	swait.ge [sflag:s22], $0x1900  }
.Ltmp1:
0x179: {  	[sflag:s22] =	ssyncset.done $0x0;
	(pc) =	sbr.rel @p0 .LBB2_1-.Ltmp1, $4  }
0x17a: {  	[sflag:s22] =	ssyncadd.s32 $0xFFFFE700  }
0x17b: {  	[hbm4b:s30+s3] =	stream.linear.scatter [tilespmem:s7], [sflag:$0x2], $0xC800, $0x38;
	[tilespmem:$0xCC00] =	vst v63  }
0x17c: {  	_ =	swait.ge [sflag:s4], $0xC800  }
0x17d: {  	[sflag:s4] =	ssyncset.done $0x0  }
.LBB2_2:
0x17e: {  	[sflag:s4] =	ssyncadd.s32 $0xFFFF3800  }
0x17f: {  	_ =	sfence.sel $0x180000  }
0x180: {  	[bflag:$0x0] =	sbarrier.arrive $0xFFFF  }
0x181: {  	_ =	strace $0x90000047  }
0x182: {  	s0 =	stileid.u32;
	[bflag:$0x2] =	sbarrier.arrive $0xFFFF  }
0x183: {  	p0 =	sne.s32 s0, $0x0;
	s0 =	rddreg [dreg:$0x3]  }
0x184: {  	s0 =	sadd.s32 @!p0 $0x100000, s0  }
0x185: {  	[sflag:s0] =	ssyncadd.tile.s32 @!p0 $0x1;
	_ =	shalt  }
.Lfunc_end2:
_tile_overlayer_lowered:
.L_overlay_start_2:
0x186: {  	(tag) =	ssettag $0x2  }
0x187: {  	s0 =	rddreg [dreg:$0x0];
	s2 =	stileid.u32  }
0x188: {  	s1 =	rddreg [dreg:$0x1];
	p0 =	sne.s32 s2, $0x0  }
0x189: {  	s3 =	rddreg [dreg:$0x2];
	[bflag:$0x3] =	sbarrier.arrive $0xFFFF;
	s2 =	simm.s32 @!p0 $0x1C02  }
0x18a: {  	[timem:s3], [sflag:s2] =	dma.local @!p0 [hbm:s0], s1  }
0x18b: {  	s0 =	simm.s32 @!p0 $0x2  }
0x18c: {  	_ =	swait.ge @!p0 [sflag:s0], s1  }
0x18d: {  	s1 =	ssub.s32 @!p0 $0x0, s1;
	[sflag:s0] =	ssyncset.done @!p0 $0x0  }
0x18e: {  	[sflag:s0] =	ssyncadd.s32 @!p0 s1  }
0x18f: {  	[bflag:$0x3] =	sbarrier.arrive $0xFFFF  }
0x190: {  	_ =	shalt  }

</sc_bundles>
